<compile_context>
chip_gen: v7x
topology: tpu7x:2x2x1
jax: 0.10.2.dev20260603
libtpu: 0.0.44.dev20260713+nightly
codegen_flags: <defaults>
</compile_context>

<pallas_src>
import functools

import jax
import jax.numpy as jnp
from jax import lax
from jax.experimental import pallas as pl
from jax.experimental.pallas import tpu as pltpu
from jax.experimental.pallas import tpu_sc as plsc

BATCH = 64
CHANNELS = 3
SPATIAL = 512
N = SPATIAL * SPATIAL
P = BATCH * CHANNELS
NUM_CORES = 2
NUM_SUBCORES = 16
CHUNK = N // NUM_SUBCORES
PP = P // NUM_CORES


def _shuffle(x2, perm):
    mesh = plsc.VectorSubcoreMesh(core_axis_name="c", subcore_axis_name="s")

    @functools.partial(
        pl.kernel,
        mesh=mesh,
        out_type=jax.ShapeDtypeStruct((P, N), jnp.float32),
        scratch_types=[
            pltpu.VMEM((CHUNK,), jnp.int32),
            pltpu.VMEM((CHUNK,), jnp.float32),
            pltpu.VMEM((CHUNK,), jnp.float32),
            pltpu.VMEM_SHARED((N,), jnp.float32),
            pltpu.VMEM_SHARED((N,), jnp.float32),
            pltpu.VMEM_SHARED((N,), jnp.float32),
            pltpu.SemaphoreType.DMA,
            pltpu.SemaphoreType.DMA,
            pltpu.SemaphoreType.DMA,
        ],
    )
    def k(x_hbm, perm_hbm, out_hbm, idx_v, out0, out1, sh0, sh1, sh2,
          sem_l, sem_g, sem_s):
        cid = lax.axis_index("c")
        sid = lax.axis_index("s")
        col0 = sid * CHUNK
        base = cid * PP
        pltpu.sync_copy(perm_hbm.at[pl.ds(col0, CHUNK)], idx_v)

        outs = (out0, out1)

        def load(p, sh):
            return pltpu.make_async_copy(
                x_hbm.at[p, pl.ds(col0, CHUNK)],
                sh.at[pl.ds(col0, CHUNK)],
                sem_l,
            )

        def gather(sh, out_v):
            return pltpu.make_async_copy(sh.at[idx_v], out_v, sem_g)

        def store(p, out_v):
            return pltpu.make_async_copy(
                out_v, out_hbm.at[p, pl.ds(col0, CHUNK)], sem_s
            )

        load(base, sh0).start()
        load(base + 1, sh1).start()
        load(base, sh0).wait()
        plsc.subcore_barrier()
        gather(sh0, out0).start()

        def step(i, sh_cur, sh_nxt, sh_nxt2, out_cur, out_nxt):
            del sh_cur
            @pl.when(i + 1 < base + PP)
            def _():
                load(i + 1, sh_nxt).wait()

            @pl.when(i >= base + 1)
            def _():
                store(i - 1, out_nxt).wait()

            plsc.subcore_barrier()

            @pl.when(i + 1 < base + PP)
            def _():
                gather(sh_nxt, out_nxt).start()

            @pl.when(i + 2 < base + PP)
            def _():
                load(i + 2, sh_nxt2).start()

            pltpu.make_async_copy(sh_nxt.at[idx_v], out_cur, sem_g).wait()
            store(i, out_cur).start()

        def body(j, _):
            i = base + 6 * j
            sh = (sh0, sh1, sh2)
            for u in range(6):
                step(
                    i + u,
                    sh[u % 3],
                    sh[(u + 1) % 3],
                    sh[(u + 2) % 3],
                    outs[u % 2],
                    outs[(u + 1) % 2],
                )
            return ()

        lax.fori_loop(0, PP // 6, body, ())
        store(base, outs[(PP - 1) % 2]).wait()

    return k(x2, perm)


def kernel(x, permutation):
    x2 = x.reshape(P, N)
    perm = permutation.astype(jnp.int32)
    out = _shuffle(x2, perm)
    return out.reshape(x.shape)

# --- scband reference (transcript-rebuilt; emitter-appended) ---
"""Pipeline reference for scband-shuffle-tensor-27599459844165 (READ-ONLY COPY).

The authoritative reference and input builder live on the scoring server;
editing this copy changes nothing except your own understanding.
"""

import jax, jax.numpy as jnp
import numpy as np

SPATIAL = 512
CHANNELS = 3
BATCH = 64

def setup_inputs(seed: int = 0) -> dict:
    key = jax.random.key(seed)
    k1, k2 = jax.random.split(key)
    x = jax.random.normal(k1, (BATCH, CHANNELS, SPATIAL, SPATIAL), dtype=jnp.float32)
    # fixed permutation created in __init__ (spatial_only=True -> size spatial_size**2)
    permutation = jax.random.permutation(k2, SPATIAL * SPATIAL)
    return {"x": x, "permutation": permutation}

def reference(x, permutation):
    # spatial_only=True and x.ndim >= 3 -> flatten last two (spatial) dims
    orig_shape = x.shape
    x_flat = x.reshape(orig_shape[:-2] + (orig_shape[-2] * orig_shape[-1],))
    permuted_x_flat = jnp.take(x_flat, permutation, axis=-1)
    permuted_x = permuted_x_flat.reshape(orig_shape)
    return permuted_x

if __name__ == "__main__":
    import jax
    _d = setup_inputs()
    print(jax.jit(kernel)(*tuple(_d.values())))

</pallas_src>

<mosaic_0001>
#map = affine_map<(d0, d1) -> (0, 0)>
#map1 = affine_map<(d0, d1) -> (0)>
module attributes {stable_mosaic.version = 14 : i64} {
  func.func @k(%arg0: i32, %arg1: i32, %arg2: memref<192x262144xf32, #tpu.memory_space<hbm>>, %arg3: memref<262144xi32, #tpu.memory_space<hbm>>, %arg4: memref<192x262144xf32, #tpu.memory_space<hbm>>, %arg5: memref<16384xi32, #tpu.memory_space<vmem>>, %arg6: memref<16384xf32, #tpu.memory_space<vmem>>, %arg7: memref<16384xf32, #tpu.memory_space<vmem>>, %arg8: memref<262144xf32, #tpu.memory_space<vmem_shared>>, %arg9: memref<262144xf32, #tpu.memory_space<vmem_shared>>, %arg10: memref<262144xf32, #tpu.memory_space<vmem_shared>>, %arg11: memref<!tpu.dma_semaphore, #tpu.memory_space<semaphore_mem>>, %arg12: memref<!tpu.dma_semaphore, #tpu.memory_space<semaphore_mem>>, %arg13: memref<!tpu.dma_semaphore, #tpu.memory_space<semaphore_mem>>) attributes {dimension_semantics = [#tpu.dimension_semantics<core_parallel>, #tpu.dimension_semantics<subcore_parallel>], iteration_bounds = array<i64: 2, 16>, scalar_prefetch = 0 : i64, scratch_operands = 9 : i64, tpu.core_type = #tpu.core_type<sc_vector_subcore>, window_params = [{transform_indices = #map}, {transform_indices = #map1}, {transform_indices = #map}]} {
    %mul3A = arith.constant 16384 : i32
    %mul3A_0 = arith.muli %arg1, %mul3A : i32
    %mul3A_1 = arith.constant 96 : i32
    %mul3A_2 = arith.muli %arg0, %mul3A_1 : i32
    "tpu.region"() ({
      %run_scoped3A = tpu.sem_alloc : memref<!tpu.dma_semaphore, #tpu.memory_space<semaphore_mem>>
      %dma_start3A_21 = tpu.memref_slice %arg3[%mul3A_0] : memref<262144xi32, #tpu.memory_space<hbm>> -> memref<16384xi32, #tpu.memory_space<hbm>>
      %dma_start3A_22 = tpu.memref_slice %arg3[%mul3A_0] : memref<262144xi32, #tpu.memory_space<hbm>> -> memref<16384xi32, #tpu.memory_space<hbm>>
      tpu.enqueue_dma source(%dma_start3A_22 : memref<16384xi32, #tpu.memory_space<hbm>>) target(%arg5 : memref<16384xi32, #tpu.memory_space<vmem>>) target_semaphore(%run_scoped3A : memref<!tpu.dma_semaphore, #tpu.memory_space<semaphore_mem>>)
      %dma_wait3A_23 = tpu.memref_slice %arg3[%mul3A_0] : memref<262144xi32, #tpu.memory_space<hbm>> -> memref<16384xi32, #tpu.memory_space<hbm>>
      %dma_wait3A_24 = tpu.memref_slice %arg3[%mul3A_0] : memref<262144xi32, #tpu.memory_space<hbm>> -> memref<16384xi32, #tpu.memory_space<hbm>>
      tpu.wait_dma2 semaphore(%run_scoped3A : memref<!tpu.dma_semaphore, #tpu.memory_space<semaphore_mem>>) src(%dma_wait3A_24 : memref<16384xi32, #tpu.memory_space<hbm>>) dst(%arg5 : memref<16384xi32, #tpu.memory_space<vmem>>)
      tpu.yield
    }) : () -> ()
    %dma_start3A = tpu.memref_slice %arg8[%mul3A_0] : memref<262144xf32, #tpu.memory_space<vmem_shared>> -> memref<16384xf32, #tpu.memory_space<vmem_shared>>
    %dma_start3A_3 = tpu.memref_slice %arg2[%mul3A_2, %mul3A_0] : memref<192x262144xf32, #tpu.memory_space<hbm>> -> memref<1x16384xf32, #tpu.memory_space<hbm>>
    %dma_start3A_4 = tpu.memref_squeeze %dma_start3A_3 : memref<1x16384xf32, #tpu.memory_space<hbm>> -> memref<16384xf32, #tpu.memory_space<hbm>>
    tpu.enqueue_dma source(%dma_start3A_4 : memref<16384xf32, #tpu.memory_space<hbm>>) target(%dma_start3A : memref<16384xf32, #tpu.memory_space<vmem_shared>>) target_semaphore(%arg11 : memref<!tpu.dma_semaphore, #tpu.memory_space<semaphore_mem>>)
    %add3A = arith.constant 1 : i32
    %add3A_5 = arith.addi %mul3A_2, %add3A : i32
    %dma_start3A_6 = tpu.memref_slice %arg9[%mul3A_0] : memref<262144xf32, #tpu.memory_space<vmem_shared>> -> memref<16384xf32, #tpu.memory_space<vmem_shared>>
    %dma_start3A_7 = tpu.memref_slice %arg2[%add3A_5, %mul3A_0] : memref<192x262144xf32, #tpu.memory_space<hbm>> -> memref<1x16384xf32, #tpu.memory_space<hbm>>
    %dma_start3A_8 = tpu.memref_squeeze %dma_start3A_7 : memref<1x16384xf32, #tpu.memory_space<hbm>> -> memref<16384xf32, #tpu.memory_space<hbm>>
    tpu.enqueue_dma source(%dma_start3A_8 : memref<16384xf32, #tpu.memory_space<hbm>>) target(%dma_start3A_6 : memref<16384xf32, #tpu.memory_space<vmem_shared>>) target_semaphore(%arg11 : memref<!tpu.dma_semaphore, #tpu.memory_space<semaphore_mem>>)
    %dma_wait3A = tpu.memref_slice %arg8[%mul3A_0] : memref<262144xf32, #tpu.memory_space<vmem_shared>> -> memref<16384xf32, #tpu.memory_space<vmem_shared>>
    %dma_wait3A_9 = tpu.memref_slice %arg2[%mul3A_2, %mul3A_0] : memref<192x262144xf32, #tpu.memory_space<hbm>> -> memref<1x16384xf32, #tpu.memory_space<hbm>>
    %dma_wait3A_10 = tpu.memref_squeeze %dma_wait3A_9 : memref<1x16384xf32, #tpu.memory_space<hbm>> -> memref<16384xf32, #tpu.memory_space<hbm>>
    tpu.wait_dma2 semaphore(%arg11 : memref<!tpu.dma_semaphore, #tpu.memory_space<semaphore_mem>>) src(%dma_wait3A_10 : memref<16384xf32, #tpu.memory_space<hbm>>) dst(%dma_wait3A : memref<16384xf32, #tpu.memory_space<vmem_shared>>)
    %barrier3A = arith.constant 0 : index
    tpu.barrier barrier_id(%barrier3A)
    %dma_start3A_11 = arith.constant 0 : i32
    %dma_start3A_12 = tpu.memref_slice %arg8[%dma_start3A_11] : memref<262144xf32, #tpu.memory_space<vmem_shared>> -> memref<262144xf32, #tpu.memory_space<vmem_shared>>
    tpu.enqueue_indirect_dma source(%dma_start3A_12 : memref<262144xf32, #tpu.memory_space<vmem_shared>>) target(%arg6 : memref<16384xf32, #tpu.memory_space<vmem>>) offsets(%arg5 : memref<16384xi32, #tpu.memory_space<vmem>>) semaphore(%arg12 : memref<!tpu.dma_semaphore, #tpu.memory_space<semaphore_mem>>)
    %scan3A = arith.constant 0 : i32
    %scan3A_13 = arith.constant 16 : i32
    %scan3A_14 = arith.addi %scan3A, %scan3A_13 : i32
    %scan3A_15 = arith.constant 1 : i32
    scf.for %scan3A_21 = %scan3A to %scan3A_14 step %scan3A_15  : i32 {
      %mul3A_22 = arith.constant 6 : i32
      %mul3A_23 = arith.muli %mul3A_22, %scan3A_21 : i32
      %add3A_24 = arith.addi %mul3A_2, %mul3A_23 : i32
      %add3A_25 = arith.constant 0 : i32
      %add3A_26 = arith.addi %add3A_24, %add3A_25 : i32
      %add3A_27 = arith.constant 1 : i32
      %add3A_28 = arith.addi %add3A_26, %add3A_27 : i32
      %add3A_29 = arith.constant 96 : i32
      %add3A_30 = arith.addi %mul3A_2, %add3A_29 : i32
      %lt3A = arith.cmpi slt, %add3A_28, %add3A_30 : i32
      %convert_element_type3A = arith.extui %lt3A : i1 to i32
      %cond3A = arith.constant 0 : i32
      %cond3A_31 = arith.cmpi ne, %convert_element_type3A, %cond3A : i32
      scf.if %cond3A_31 {
        %add3A_255 = arith.constant 1 : i32
        %add3A_256 = arith.addi %add3A_26, %add3A_255 : i32
        %dma_wait3A_257 = tpu.memref_slice %arg9[%mul3A_0] : memref<262144xf32, #tpu.memory_space<vmem_shared>> -> memref<16384xf32, #tpu.memory_space<vmem_shared>>
        %dma_wait3A_258 = tpu.memref_slice %arg2[%add3A_256, %mul3A_0] : memref<192x262144xf32, #tpu.memory_space<hbm>> -> memref<1x16384xf32, #tpu.memory_space<hbm>>
        %dma_wait3A_259 = tpu.memref_squeeze %dma_wait3A_258 : memref<1x16384xf32, #tpu.memory_space<hbm>> -> memref<16384xf32, #tpu.memory_space<hbm>>
        tpu.wait_dma2 semaphore(%arg11 : memref<!tpu.dma_semaphore, #tpu.memory_space<semaphore_mem>>) src(%dma_wait3A_259 : memref<16384xf32, #tpu.memory_space<hbm>>) dst(%dma_wait3A_257 : memref<16384xf32, #tpu.memory_space<vmem_shared>>)
      } else {
      }
      %add3A_32 = arith.constant 1 : i32
      %add3A_33 = arith.addi %mul3A_2, %add3A_32 : i32
      %ge3A = arith.cmpi sge, %add3A_26, %add3A_33 : i32
      %convert_element_type3A_34 = arith.extui %ge3A : i1 to i32
      %cond3A_35 = arith.constant 0 : i32
      %cond3A_36 = arith.cmpi ne, %convert_element_type3A_34, %cond3A_35 : i32
      scf.if %cond3A_36 {
        %sub3A = arith.constant 1 : i32
        %sub3A_255 = arith.subi %add3A_26, %sub3A : i32
        %dma_wait3A_256 = tpu.memref_slice %arg4[%sub3A_255, %mul3A_0] : memref<192x262144xf32, #tpu.memory_space<hbm>> -> memref<1x16384xf32, #tpu.memory_space<hbm>>
        %dma_wait3A_257 = tpu.memref_squeeze %dma_wait3A_256 : memref<1x16384xf32, #tpu.memory_space<hbm>> -> memref<16384xf32, #tpu.memory_space<hbm>>
        %dma_wait3A_258 = tpu.memref_slice %arg4[%sub3A_255, %mul3A_0] : memref<192x262144xf32, #tpu.memory_space<hbm>> -> memref<1x16384xf32, #tpu.memory_space<hbm>>
        %dma_wait3A_259 = tpu.memref_squeeze %dma_wait3A_258 : memref<1x16384xf32, #tpu.memory_space<hbm>> -> memref<16384xf32, #tpu.memory_space<hbm>>
        tpu.wait_dma2 semaphore(%arg13 : memref<!tpu.dma_semaphore, #tpu.memory_space<semaphore_mem>>) src(%arg7 : memref<16384xf32, #tpu.memory_space<vmem>>) dst(%dma_wait3A_259 : memref<16384xf32, #tpu.memory_space<hbm>>)
      } else {
      }
      %barrier3A_37 = arith.constant 0 : index
      tpu.barrier barrier_id(%barrier3A_37)
      %add3A_38 = arith.constant 1 : i32
      %add3A_39 = arith.addi %add3A_26, %add3A_38 : i32
      %add3A_40 = arith.constant 96 : i32
      %add3A_41 = arith.addi %mul3A_2, %add3A_40 : i32
      %lt3A_42 = arith.cmpi slt, %add3A_39, %add3A_41 : i32
      %convert_element_type3A_43 = arith.extui %lt3A_42 : i1 to i32
      %cond3A_44 = arith.constant 0 : i32
      %cond3A_45 = arith.cmpi ne, %convert_element_type3A_43, %cond3A_44 : i32
      scf.if %cond3A_45 {
        %dma_start3A_255 = arith.constant 0 : i32
        %dma_start3A_256 = tpu.memref_slice %arg9[%dma_start3A_255] : memref<262144xf32, #tpu.memory_space<vmem_shared>> -> memref<262144xf32, #tpu.memory_space<vmem_shared>>
        tpu.enqueue_indirect_dma source(%dma_start3A_256 : memref<262144xf32, #tpu.memory_space<vmem_shared>>) target(%arg7 : memref<16384xf32, #tpu.memory_space<vmem>>) offsets(%arg5 : memref<16384xi32, #tpu.memory_space<vmem>>) semaphore(%arg12 : memref<!tpu.dma_semaphore, #tpu.memory_space<semaphore_mem>>)
      } else {
      }
      %add3A_46 = arith.constant 2 : i32
      %add3A_47 = arith.addi %add3A_26, %add3A_46 : i32
      %add3A_48 = arith.constant 96 : i32
      %add3A_49 = arith.addi %mul3A_2, %add3A_48 : i32
      %lt3A_50 = arith.cmpi slt, %add3A_47, %add3A_49 : i32
      %convert_element_type3A_51 = arith.extui %lt3A_50 : i1 to i32
      %cond3A_52 = arith.constant 0 : i32
      %cond3A_53 = arith.cmpi ne, %convert_element_type3A_51, %cond3A_52 : i32
      scf.if %cond3A_53 {
        %add3A_255 = arith.constant 2 : i32
        %add3A_256 = arith.addi %add3A_26, %add3A_255 : i32
        %dma_start3A_257 = tpu.memref_slice %arg10[%mul3A_0] : memref<262144xf32, #tpu.memory_space<vmem_shared>> -> memref<16384xf32, #tpu.memory_space<vmem_shared>>
        %dma_start3A_258 = tpu.memref_slice %arg2[%add3A_256, %mul3A_0] : memref<192x262144xf32, #tpu.memory_space<hbm>> -> memref<1x16384xf32, #tpu.memory_space<hbm>>
        %dma_start3A_259 = tpu.memref_squeeze %dma_start3A_258 : memref<1x16384xf32, #tpu.memory_space<hbm>> -> memref<16384xf32, #tpu.memory_space<hbm>>
        tpu.enqueue_dma source(%dma_start3A_259 : memref<16384xf32, #tpu.memory_space<hbm>>) target(%dma_start3A_257 : memref<16384xf32, #tpu.memory_space<vmem_shared>>) target_semaphore(%arg11 : memref<!tpu.dma_semaphore, #tpu.memory_space<semaphore_mem>>)
      } else {
      }
      %dma_wait3A_54 = arith.constant 0 : i32
      %dma_wait3A_55 = tpu.memref_slice %arg9[%dma_wait3A_54] : memref<262144xf32, #tpu.memory_space<vmem_shared>> -> memref<262144xf32, #tpu.memory_space<vmem_shared>>
      tpu.wait_indirect_dma semaphore(%arg12 : memref<!tpu.dma_semaphore, #tpu.memory_space<semaphore_mem>>) src(%dma_wait3A_55 : memref<262144xf32, #tpu.memory_space<vmem_shared>>) dst(%arg6 : memref<16384xf32, #tpu.memory_space<vmem>>)
      %dma_start3A_56 = tpu.memref_slice %arg4[%add3A_26, %mul3A_0] : memref<192x262144xf32, #tpu.memory_space<hbm>> -> memref<1x16384xf32, #tpu.memory_space<hbm>>
      %dma_start3A_57 = tpu.memref_squeeze %dma_start3A_56 : memref<1x16384xf32, #tpu.memory_space<hbm>> -> memref<16384xf32, #tpu.memory_space<hbm>>
      %dma_start3A_58 = tpu.memref_slice %arg4[%add3A_26, %mul3A_0] : memref<192x262144xf32, #tpu.memory_space<hbm>> -> memref<1x16384xf32, #tpu.memory_space<hbm>>
      %dma_start3A_59 = tpu.memref_squeeze %dma_start3A_58 : memref<1x16384xf32, #tpu.memory_space<hbm>> -> memref<16384xf32, #tpu.memory_space<hbm>>
      tpu.enqueue_dma source(%arg6 : memref<16384xf32, #tpu.memory_space<vmem>>) target(%dma_start3A_59 : memref<16384xf32, #tpu.memory_space<hbm>>) target_semaphore(%arg13 : memref<!tpu.dma_semaphore, #tpu.memory_space<semaphore_mem>>)
      %add3A_60 = arith.constant 1 : i32
      %add3A_61 = arith.addi %add3A_24, %add3A_60 : i32
      %add3A_62 = arith.constant 1 : i32
      %add3A_63 = arith.addi %add3A_61, %add3A_62 : i32
      %add3A_64 = arith.constant 96 : i32
      %add3A_65 = arith.addi %mul3A_2, %add3A_64 : i32
      %lt3A_66 = arith.cmpi slt, %add3A_63, %add3A_65 : i32
      %convert_element_type3A_67 = arith.extui %lt3A_66 : i1 to i32
      %cond3A_68 = arith.constant 0 : i32
      %cond3A_69 = arith.cmpi ne, %convert_element_type3A_67, %cond3A_68 : i32
      scf.if %cond3A_69 {
        %add3A_255 = arith.constant 1 : i32
        %add3A_256 = arith.addi %add3A_61, %add3A_255 : i32
        %dma_wait3A_257 = tpu.memref_slice %arg10[%mul3A_0] : memref<262144xf32, #tpu.memory_space<vmem_shared>> -> memref<16384xf32, #tpu.memory_space<vmem_shared>>
        %dma_wait3A_258 = tpu.memref_slice %arg2[%add3A_256, %mul3A_0] : memref<192x262144xf32, #tpu.memory_space<hbm>> -> memref<1x16384xf32, #tpu.memory_space<hbm>>
        %dma_wait3A_259 = tpu.memref_squeeze %dma_wait3A_258 : memref<1x16384xf32, #tpu.memory_space<hbm>> -> memref<16384xf32, #tpu.memory_space<hbm>>
        tpu.wait_dma2 semaphore(%arg11 : memref<!tpu.dma_semaphore, #tpu.memory_space<semaphore_mem>>) src(%dma_wait3A_259 : memref<16384xf32, #tpu.memory_space<hbm>>) dst(%dma_wait3A_257 : memref<16384xf32, #tpu.memory_space<vmem_shared>>)
      } else {
      }
      %add3A_70 = arith.constant 1 : i32
      %add3A_71 = arith.addi %mul3A_2, %add3A_70 : i32
      %ge3A_72 = arith.cmpi sge, %add3A_61, %add3A_71 : i32
      %convert_element_type3A_73 = arith.extui %ge3A_72 : i1 to i32
      %cond3A_74 = arith.constant 0 : i32
      %cond3A_75 = arith.cmpi ne, %convert_element_type3A_73, %cond3A_74 : i32
      scf.if %cond3A_75 {
        %sub3A = arith.constant 1 : i32
        %sub3A_255 = arith.subi %add3A_61, %sub3A : i32
        %dma_wait3A_256 = tpu.memref_slice %arg4[%sub3A_255, %mul3A_0] : memref<192x262144xf32, #tpu.memory_space<hbm>> -> memref<1x16384xf32, #tpu.memory_space<hbm>>
        %dma_wait3A_257 = tpu.memref_squeeze %dma_wait3A_256 : memref<1x16384xf32, #tpu.memory_space<hbm>> -> memref<16384xf32, #tpu.memory_space<hbm>>
        %dma_wait3A_258 = tpu.memref_slice %arg4[%sub3A_255, %mul3A_0] : memref<192x262144xf32, #tpu.memory_space<hbm>> -> memref<1x16384xf32, #tpu.memory_space<hbm>>
        %dma_wait3A_259 = tpu.memref_squeeze %dma_wait3A_258 : memref<1x16384xf32, #tpu.memory_space<hbm>> -> memref<16384xf32, #tpu.memory_space<hbm>>
        tpu.wait_dma2 semaphore(%arg13 : memref<!tpu.dma_semaphore, #tpu.memory_space<semaphore_mem>>) src(%arg6 : memref<16384xf32, #tpu.memory_space<vmem>>) dst(%dma_wait3A_259 : memref<16384xf32, #tpu.memory_space<hbm>>)
      } else {
      }
      %barrier3A_76 = arith.constant 0 : index
      tpu.barrier barrier_id(%barrier3A_76)
      %add3A_77 = arith.constant 1 : i32
      %add3A_78 = arith.addi %add3A_61, %add3A_77 : i32
      %add3A_79 = arith.constant 96 : i32
      %add3A_80 = arith.addi %mul3A_2, %add3A_79 : i32
      %lt3A_81 = arith.cmpi slt, %add3A_78, %add3A_80 : i32
      %convert_element_type3A_82 = arith.extui %lt3A_81 : i1 to i32
      %cond3A_83 = arith.constant 0 : i32
      %cond3A_84 = arith.cmpi ne, %convert_element_type3A_82, %cond3A_83 : i32
      scf.if %cond3A_84 {
        %dma_start3A_255 = arith.constant 0 : i32
        %dma_start3A_256 = tpu.memref_slice %arg10[%dma_start3A_255] : memref<262144xf32, #tpu.memory_space<vmem_shared>> -> memref<262144xf32, #tpu.memory_space<vmem_shared>>
        tpu.enqueue_indirect_dma source(%dma_start3A_256 : memref<262144xf32, #tpu.memory_space<vmem_shared>>) target(%arg6 : memref<16384xf32, #tpu.memory_space<vmem>>) offsets(%arg5 : memref<16384xi32, #tpu.memory_space<vmem>>) semaphore(%arg12 : memref<!tpu.dma_semaphore, #tpu.memory_space<semaphore_mem>>)
      } else {
      }
      %add3A_85 = arith.constant 2 : i32
      %add3A_86 = arith.addi %add3A_61, %add3A_85 : i32
      %add3A_87 = arith.constant 96 : i32
      %add3A_88 = arith.addi %mul3A_2, %add3A_87 : i32
      %lt3A_89 = arith.cmpi slt, %add3A_86, %add3A_88 : i32
      %convert_element_type3A_90 = arith.extui %lt3A_89 : i1 to i32
      %cond3A_91 = arith.constant 0 : i32
      %cond3A_92 = arith.cmpi ne, %convert_element_type3A_90, %cond3A_91 : i32
      scf.if %cond3A_92 {
        %add3A_255 = arith.constant 2 : i32
        %add3A_256 = arith.addi %add3A_61, %add3A_255 : i32
        %dma_start3A_257 = tpu.memref_slice %arg8[%mul3A_0] : memref<262144xf32, #tpu.memory_space<vmem_shared>> -> memref<16384xf32, #tpu.memory_space<vmem_shared>>
        %dma_start3A_258 = tpu.memref_slice %arg2[%add3A_256, %mul3A_0] : memref<192x262144xf32, #tpu.memory_space<hbm>> -> memref<1x16384xf32, #tpu.memory_space<hbm>>
        %dma_start3A_259 = tpu.memref_squeeze %dma_start3A_258 : memref<1x16384xf32, #tpu.memory_space<hbm>> -> memref<16384xf32, #tpu.memory_space<hbm>>
        tpu.enqueue_dma source(%dma_start3A_259 : memref<16384xf32, #tpu.memory_space<hbm>>) target(%dma_start3A_257 : memref<16384xf32, #tpu.memory_space<vmem_shared>>) target_semaphore(%arg11 : memref<!tpu.dma_semaphore, #tpu.memory_space<semaphore_mem>>)
      } else {
      }
      %dma_wait3A_93 = arith.constant 0 : i32
      %dma_wait3A_94 = tpu.memref_slice %arg10[%dma_wait3A_93] : memref<262144xf32, #tpu.memory_space<vmem_shared>> -> memref<262144xf32, #tpu.memory_space<vmem_shared>>
      tpu.wait_indirect_dma semaphore(%arg12 : memref<!tpu.dma_semaphore, #tpu.memory_space<semaphore_mem>>) src(%dma_wait3A_94 : memref<262144xf32, #tpu.memory_space<vmem_shared>>) dst(%arg7 : memref<16384xf32, #tpu.memory_space<vmem>>)
      %dma_start3A_95 = tpu.memref_slice %arg4[%add3A_61, %mul3A_0] : memref<192x262144xf32, #tpu.memory_space<hbm>> -> memref<1x16384xf32, #tpu.memory_space<hbm>>
      %dma_start3A_96 = tpu.memref_squeeze %dma_start3A_95 : memref<1x16384xf32, #tpu.memory_space<hbm>> -> memref<16384xf32, #tpu.memory_space<hbm>>
      %dma_start3A_97 = tpu.memref_slice %arg4[%add3A_61, %mul3A_0] : memref<192x262144xf32, #tpu.memory_space<hbm>> -> memref<1x16384xf32, #tpu.memory_space<hbm>>
      %dma_start3A_98 = tpu.memref_squeeze %dma_start3A_97 : memref<1x16384xf32, #tpu.memory_space<hbm>> -> memref<16384xf32, #tpu.memory_space<hbm>>
      tpu.enqueue_dma source(%arg7 : memref<16384xf32, #tpu.memory_space<vmem>>) target(%dma_start3A_98 : memref<16384xf32, #tpu.memory_space<hbm>>) target_semaphore(%arg13 : memref<!tpu.dma_semaphore, #tpu.memory_space<semaphore_mem>>)
      %add3A_99 = arith.constant 2 : i32
      %add3A_100 = arith.addi %add3A_24, %add3A_99 : i32
      %add3A_101 = arith.constant 1 : i32
      %add3A_102 = arith.addi %add3A_100, %add3A_101 : i32
      %add3A_103 = arith.constant 96 : i32
      %add3A_104 = arith.addi %mul3A_2, %add3A_103 : i32
      %lt3A_105 = arith.cmpi slt, %add3A_102, %add3A_104 : i32
      %convert_element_type3A_106 = arith.extui %lt3A_105 : i1 to i32
      %cond3A_107 = arith.constant 0 : i32
      %cond3A_108 = arith.cmpi ne, %convert_element_type3A_106, %cond3A_107 : i32
      scf.if %cond3A_108 {
        %add3A_255 = arith.constant 1 : i32
        %add3A_256 = arith.addi %add3A_100, %add3A_255 : i32
        %dma_wait3A_257 = tpu.memref_slice %arg8[%mul3A_0] : memref<262144xf32, #tpu.memory_space<vmem_shared>> -> memref<16384xf32, #tpu.memory_space<vmem_shared>>
        %dma_wait3A_258 = tpu.memref_slice %arg2[%add3A_256, %mul3A_0] : memref<192x262144xf32, #tpu.memory_space<hbm>> -> memref<1x16384xf32, #tpu.memory_space<hbm>>
        %dma_wait3A_259 = tpu.memref_squeeze %dma_wait3A_258 : memref<1x16384xf32, #tpu.memory_space<hbm>> -> memref<16384xf32, #tpu.memory_space<hbm>>
        tpu.wait_dma2 semaphore(%arg11 : memref<!tpu.dma_semaphore, #tpu.memory_space<semaphore_mem>>) src(%dma_wait3A_259 : memref<16384xf32, #tpu.memory_space<hbm>>) dst(%dma_wait3A_257 : memref<16384xf32, #tpu.memory_space<vmem_shared>>)
      } else {
      }
      %add3A_109 = arith.constant 1 : i32
      %add3A_110 = arith.addi %mul3A_2, %add3A_109 : i32
      %ge3A_111 = arith.cmpi sge, %add3A_100, %add3A_110 : i32
      %convert_element_type3A_112 = arith.extui %ge3A_111 : i1 to i32
      %cond3A_113 = arith.constant 0 : i32
      %cond3A_114 = arith.cmpi ne, %convert_element_type3A_112, %cond3A_113 : i32
      scf.if %cond3A_114 {
        %sub3A = arith.constant 1 : i32
        %sub3A_255 = arith.subi %add3A_100, %sub3A : i32
        %dma_wait3A_256 = tpu.memref_slice %arg4[%sub3A_255, %mul3A_0] : memref<192x262144xf32, #tpu.memory_space<hbm>> -> memref<1x16384xf32, #tpu.memory_space<hbm>>
        %dma_wait3A_257 = tpu.memref_squeeze %dma_wait3A_256 : memref<1x16384xf32, #tpu.memory_space<hbm>> -> memref<16384xf32, #tpu.memory_space<hbm>>
        %dma_wait3A_258 = tpu.memref_slice %arg4[%sub3A_255, %mul3A_0] : memref<192x262144xf32, #tpu.memory_space<hbm>> -> memref<1x16384xf32, #tpu.memory_space<hbm>>
        %dma_wait3A_259 = tpu.memref_squeeze %dma_wait3A_258 : memref<1x16384xf32, #tpu.memory_space<hbm>> -> memref<16384xf32, #tpu.memory_space<hbm>>
        tpu.wait_dma2 semaphore(%arg13 : memref<!tpu.dma_semaphore, #tpu.memory_space<semaphore_mem>>) src(%arg7 : memref<16384xf32, #tpu.memory_space<vmem>>) dst(%dma_wait3A_259 : memref<16384xf32, #tpu.memory_space<hbm>>)
      } else {
      }
      %barrier3A_115 = arith.constant 0 : index
      tpu.barrier barrier_id(%barrier3A_115)
      %add3A_116 = arith.constant 1 : i32
      %add3A_117 = arith.addi %add3A_100, %add3A_116 : i32
      %add3A_118 = arith.constant 96 : i32
      %add3A_119 = arith.addi %mul3A_2, %add3A_118 : i32
      %lt3A_120 = arith.cmpi slt, %add3A_117, %add3A_119 : i32
      %convert_element_type3A_121 = arith.extui %lt3A_120 : i1 to i32
      %cond3A_122 = arith.constant 0 : i32
      %cond3A_123 = arith.cmpi ne, %convert_element_type3A_121, %cond3A_122 : i32
      scf.if %cond3A_123 {
        %dma_start3A_255 = arith.constant 0 : i32
        %dma_start3A_256 = tpu.memref_slice %arg8[%dma_start3A_255] : memref<262144xf32, #tpu.memory_space<vmem_shared>> -> memref<262144xf32, #tpu.memory_space<vmem_shared>>
        tpu.enqueue_indirect_dma source(%dma_start3A_256 : memref<262144xf32, #tpu.memory_space<vmem_shared>>) target(%arg7 : memref<16384xf32, #tpu.memory_space<vmem>>) offsets(%arg5 : memref<16384xi32, #tpu.memory_space<vmem>>) semaphore(%arg12 : memref<!tpu.dma_semaphore, #tpu.memory_space<semaphore_mem>>)
      } else {
      }
      %add3A_124 = arith.constant 2 : i32
      %add3A_125 = arith.addi %add3A_100, %add3A_124 : i32
      %add3A_126 = arith.constant 96 : i32
      %add3A_127 = arith.addi %mul3A_2, %add3A_126 : i32
      %lt3A_128 = arith.cmpi slt, %add3A_125, %add3A_127 : i32
      %convert_element_type3A_129 = arith.extui %lt3A_128 : i1 to i32
      %cond3A_130 = arith.constant 0 : i32
      %cond3A_131 = arith.cmpi ne, %convert_element_type3A_129, %cond3A_130 : i32
      scf.if %cond3A_131 {
        %add3A_255 = arith.constant 2 : i32
        %add3A_256 = arith.addi %add3A_100, %add3A_255 : i32
        %dma_start3A_257 = tpu.memref_slice %arg9[%mul3A_0] : memref<262144xf32, #tpu.memory_space<vmem_shared>> -> memref<16384xf32, #tpu.memory_space<vmem_shared>>
        %dma_start3A_258 = tpu.memref_slice %arg2[%add3A_256, %mul3A_0] : memref<192x262144xf32, #tpu.memory_space<hbm>> -> memref<1x16384xf32, #tpu.memory_space<hbm>>
        %dma_start3A_259 = tpu.memref_squeeze %dma_start3A_258 : memref<1x16384xf32, #tpu.memory_space<hbm>> -> memref<16384xf32, #tpu.memory_space<hbm>>
        tpu.enqueue_dma source(%dma_start3A_259 : memref<16384xf32, #tpu.memory_space<hbm>>) target(%dma_start3A_257 : memref<16384xf32, #tpu.memory_space<vmem_shared>>) target_semaphore(%arg11 : memref<!tpu.dma_semaphore, #tpu.memory_space<semaphore_mem>>)
      } else {
      }
      %dma_wait3A_132 = arith.constant 0 : i32
      %dma_wait3A_133 = tpu.memref_slice %arg8[%dma_wait3A_132] : memref<262144xf32, #tpu.memory_space<vmem_shared>> -> memref<262144xf32, #tpu.memory_space<vmem_shared>>
      tpu.wait_indirect_dma semaphore(%arg12 : memref<!tpu.dma_semaphore, #tpu.memory_space<semaphore_mem>>) src(%dma_wait3A_133 : memref<262144xf32, #tpu.memory_space<vmem_shared>>) dst(%arg6 : memref<16384xf32, #tpu.memory_space<vmem>>)
      %dma_start3A_134 = tpu.memref_slice %arg4[%add3A_100, %mul3A_0] : memref<192x262144xf32, #tpu.memory_space<hbm>> -> memref<1x16384xf32, #tpu.memory_space<hbm>>
      %dma_start3A_135 = tpu.memref_squeeze %dma_start3A_134 : memref<1x16384xf32, #tpu.memory_space<hbm>> -> memref<16384xf32, #tpu.memory_space<hbm>>
      %dma_start3A_136 = tpu.memref_slice %arg4[%add3A_100, %mul3A_0] : memref<192x262144xf32, #tpu.memory_space<hbm>> -> memref<1x16384xf32, #tpu.memory_space<hbm>>
      %dma_start3A_137 = tpu.memref_squeeze %dma_start3A_136 : memref<1x16384xf32, #tpu.memory_space<hbm>> -> memref<16384xf32, #tpu.memory_space<hbm>>
      tpu.enqueue_dma source(%arg6 : memref<16384xf32, #tpu.memory_space<vmem>>) target(%dma_start3A_137 : memref<16384xf32, #tpu.memory_space<hbm>>) target_semaphore(%arg13 : memref<!tpu.dma_semaphore, #tpu.memory_space<semaphore_mem>>)
      %add3A_138 = arith.constant 3 : i32
      %add3A_139 = arith.addi %add3A_24, %add3A_138 : i32
      %add3A_140 = arith.constant 1 : i32
      %add3A_141 = arith.addi %add3A_139, %add3A_140 : i32
      %add3A_142 = arith.constant 96 : i32
      %add3A_143 = arith.addi %mul3A_2, %add3A_142 : i32
      %lt3A_144 = arith.cmpi slt, %add3A_141, %add3A_143 : i32
      %convert_element_type3A_145 = arith.extui %lt3A_144 : i1 to i32
      %cond3A_146 = arith.constant 0 : i32
      %cond3A_147 = arith.cmpi ne, %convert_element_type3A_145, %cond3A_146 : i32
      scf.if %cond3A_147 {
        %add3A_255 = arith.constant 1 : i32
        %add3A_256 = arith.addi %add3A_139, %add3A_255 : i32
        %dma_wait3A_257 = tpu.memref_slice %arg9[%mul3A_0] : memref<262144xf32, #tpu.memory_space<vmem_shared>> -> memref<16384xf32, #tpu.memory_space<vmem_shared>>
        %dma_wait3A_258 = tpu.memref_slice %arg2[%add3A_256, %mul3A_0] : memref<192x262144xf32, #tpu.memory_space<hbm>> -> memref<1x16384xf32, #tpu.memory_space<hbm>>
        %dma_wait3A_259 = tpu.memref_squeeze %dma_wait3A_258 : memref<1x16384xf32, #tpu.memory_space<hbm>> -> memref<16384xf32, #tpu.memory_space<hbm>>
        tpu.wait_dma2 semaphore(%arg11 : memref<!tpu.dma_semaphore, #tpu.memory_space<semaphore_mem>>) src(%dma_wait3A_259 : memref<16384xf32, #tpu.memory_space<hbm>>) dst(%dma_wait3A_257 : memref<16384xf32, #tpu.memory_space<vmem_shared>>)
      } else {
      }
      %add3A_148 = arith.constant 1 : i32
      %add3A_149 = arith.addi %mul3A_2, %add3A_148 : i32
      %ge3A_150 = arith.cmpi sge, %add3A_139, %add3A_149 : i32
      %convert_element_type3A_151 = arith.extui %ge3A_150 : i1 to i32
      %cond3A_152 = arith.constant 0 : i32
      %cond3A_153 = arith.cmpi ne, %convert_element_type3A_151, %cond3A_152 : i32
      scf.if %cond3A_153 {
        %sub3A = arith.constant 1 : i32
        %sub3A_255 = arith.subi %add3A_139, %sub3A : i32
        %dma_wait3A_256 = tpu.memref_slice %arg4[%sub3A_255, %mul3A_0] : memref<192x262144xf32, #tpu.memory_space<hbm>> -> memref<1x16384xf32, #tpu.memory_space<hbm>>
        %dma_wait3A_257 = tpu.memref_squeeze %dma_wait3A_256 : memref<1x16384xf32, #tpu.memory_space<hbm>> -> memref<16384xf32, #tpu.memory_space<hbm>>
        %dma_wait3A_258 = tpu.memref_slice %arg4[%sub3A_255, %mul3A_0] : memref<192x262144xf32, #tpu.memory_space<hbm>> -> memref<1x16384xf32, #tpu.memory_space<hbm>>
        %dma_wait3A_259 = tpu.memref_squeeze %dma_wait3A_258 : memref<1x16384xf32, #tpu.memory_space<hbm>> -> memref<16384xf32, #tpu.memory_space<hbm>>
        tpu.wait_dma2 semaphore(%arg13 : memref<!tpu.dma_semaphore, #tpu.memory_space<semaphore_mem>>) src(%arg6 : memref<16384xf32, #tpu.memory_space<vmem>>) dst(%dma_wait3A_259 : memref<16384xf32, #tpu.memory_space<hbm>>)
      } else {
      }
      %barrier3A_154 = arith.constant 0 : index
      tpu.barrier barrier_id(%barrier3A_154)
      %add3A_155 = arith.constant 1 : i32
      %add3A_156 = arith.addi %add3A_139, %add3A_155 : i32
      %add3A_157 = arith.constant 96 : i32
      %add3A_158 = arith.addi %mul3A_2, %add3A_157 : i32
      %lt3A_159 = arith.cmpi slt, %add3A_156, %add3A_158 : i32
      %convert_element_type3A_160 = arith.extui %lt3A_159 : i1 to i32
      %cond3A_161 = arith.constant 0 : i32
      %cond3A_162 = arith.cmpi ne, %convert_element_type3A_160, %cond3A_161 : i32
      scf.if %cond3A_162 {
        %dma_start3A_255 = arith.constant 0 : i32
        %dma_start3A_256 = tpu.memref_slice %arg9[%dma_start3A_255] : memref<262144xf32, #tpu.memory_space<vmem_shared>> -> memref<262144xf32, #tpu.memory_space<vmem_shared>>
        tpu.enqueue_indirect_dma source(%dma_start3A_256 : memref<262144xf32, #tpu.memory_space<vmem_shared>>) target(%arg6 : memref<16384xf32, #tpu.memory_space<vmem>>) offsets(%arg5 : memref<16384xi32, #tpu.memory_space<vmem>>) semaphore(%arg12 : memref<!tpu.dma_semaphore, #tpu.memory_space<semaphore_mem>>)
      } else {
      }
      %add3A_163 = arith.constant 2 : i32
      %add3A_164 = arith.addi %add3A_139, %add3A_163 : i32
      %add3A_165 = arith.constant 96 : i32
      %add3A_166 = arith.addi %mul3A_2, %add3A_165 : i32
      %lt3A_167 = arith.cmpi slt, %add3A_164, %add3A_166 : i32
      %convert_element_type3A_168 = arith.extui %lt3A_167 : i1 to i32
      %cond3A_169 = arith.constant 0 : i32
      %cond3A_170 = arith.cmpi ne, %convert_element_type3A_168, %cond3A_169 : i32
      scf.if %cond3A_170 {
        %add3A_255 = arith.constant 2 : i32
        %add3A_256 = arith.addi %add3A_139, %add3A_255 : i32
        %dma_start3A_257 = tpu.memref_slice %arg10[%mul3A_0] : memref<262144xf32, #tpu.memory_space<vmem_shared>> -> memref<16384xf32, #tpu.memory_space<vmem_shared>>
        %dma_start3A_258 = tpu.memref_slice %arg2[%add3A_256, %mul3A_0] : memref<192x262144xf32, #tpu.memory_space<hbm>> -> memref<1x16384xf32, #tpu.memory_space<hbm>>
        %dma_start3A_259 = tpu.memref_squeeze %dma_start3A_258 : memref<1x16384xf32, #tpu.memory_space<hbm>> -> memref<16384xf32, #tpu.memory_space<hbm>>
        tpu.enqueue_dma source(%dma_start3A_259 : memref<16384xf32, #tpu.memory_space<hbm>>) target(%dma_start3A_257 : memref<16384xf32, #tpu.memory_space<vmem_shared>>) target_semaphore(%arg11 : memref<!tpu.dma_semaphore, #tpu.memory_space<semaphore_mem>>)
      } else {
      }
      %dma_wait3A_171 = arith.constant 0 : i32
      %dma_wait3A_172 = tpu.memref_slice %arg9[%dma_wait3A_171] : memref<262144xf32, #tpu.memory_space<vmem_shared>> -> memref<262144xf32, #tpu.memory_space<vmem_shared>>
      tpu.wait_indirect_dma semaphore(%arg12 : memref<!tpu.dma_semaphore, #tpu.memory_space<semaphore_mem>>) src(%dma_wait3A_172 : memref<262144xf32, #tpu.memory_space<vmem_shared>>) dst(%arg7 : memref<16384xf32, #tpu.memory_space<vmem>>)
      %dma_start3A_173 = tpu.memref_slice %arg4[%add3A_139, %mul3A_0] : memref<192x262144xf32, #tpu.memory_space<hbm>> -> memref<1x16384xf32, #tpu.memory_space<hbm>>
      %dma_start3A_174 = tpu.memref_squeeze %dma_start3A_173 : memref<1x16384xf32, #tpu.memory_space<hbm>> -> memref<16384xf32, #tpu.memory_space<hbm>>
      %dma_start3A_175 = tpu.memref_slice %arg4[%add3A_139, %mul3A_0] : memref<192x262144xf32, #tpu.memory_space<hbm>> -> memref<1x16384xf32, #tpu.memory_space<hbm>>
      %dma_start3A_176 = tpu.memref_squeeze %dma_start3A_175 : memref<1x16384xf32, #tpu.memory_space<hbm>> -> memref<16384xf32, #tpu.memory_space<hbm>>
      tpu.enqueue_dma source(%arg7 : memref<16384xf32, #tpu.memory_space<vmem>>) target(%dma_start3A_176 : memref<16384xf32, #tpu.memory_space<hbm>>) target_semaphore(%arg13 : memref<!tpu.dma_semaphore, #tpu.memory_space<semaphore_mem>>)
      %add3A_177 = arith.constant 4 : i32
      %add3A_178 = arith.addi %add3A_24, %add3A_177 : i32
      %add3A_179 = arith.constant 1 : i32
      %add3A_180 = arith.addi %add3A_178, %add3A_179 : i32
      %add3A_181 = arith.constant 96 : i32
      %add3A_182 = arith.addi %mul3A_2, %add3A_181 : i32
      %lt3A_183 = arith.cmpi slt, %add3A_180, %add3A_182 : i32
      %convert_element_type3A_184 = arith.extui %lt3A_183 : i1 to i32
      %cond3A_185 = arith.constant 0 : i32
      %cond3A_186 = arith.cmpi ne, %convert_element_type3A_184, %cond3A_185 : i32
      scf.if %cond3A_186 {
        %add3A_255 = arith.constant 1 : i32
        %add3A_256 = arith.addi %add3A_178, %add3A_255 : i32
        %dma_wait3A_257 = tpu.memref_slice %arg10[%mul3A_0] : memref<262144xf32, #tpu.memory_space<vmem_shared>> -> memref<16384xf32, #tpu.memory_space<vmem_shared>>
        %dma_wait3A_258 = tpu.memref_slice %arg2[%add3A_256, %mul3A_0] : memref<192x262144xf32, #tpu.memory_space<hbm>> -> memref<1x16384xf32, #tpu.memory_space<hbm>>
        %dma_wait3A_259 = tpu.memref_squeeze %dma_wait3A_258 : memref<1x16384xf32, #tpu.memory_space<hbm>> -> memref<16384xf32, #tpu.memory_space<hbm>>
        tpu.wait_dma2 semaphore(%arg11 : memref<!tpu.dma_semaphore, #tpu.memory_space<semaphore_mem>>) src(%dma_wait3A_259 : memref<16384xf32, #tpu.memory_space<hbm>>) dst(%dma_wait3A_257 : memref<16384xf32, #tpu.memory_space<vmem_shared>>)
      } else {
      }
      %add3A_187 = arith.constant 1 : i32
      %add3A_188 = arith.addi %mul3A_2, %add3A_187 : i32
      %ge3A_189 = arith.cmpi sge, %add3A_178, %add3A_188 : i32
      %convert_element_type3A_190 = arith.extui %ge3A_189 : i1 to i32
      %cond3A_191 = arith.constant 0 : i32
      %cond3A_192 = arith.cmpi ne, %convert_element_type3A_190, %cond3A_191 : i32
      scf.if %cond3A_192 {
        %sub3A = arith.constant 1 : i32
        %sub3A_255 = arith.subi %add3A_178, %sub3A : i32
        %dma_wait3A_256 = tpu.memref_slice %arg4[%sub3A_255, %mul3A_0] : memref<192x262144xf32, #tpu.memory_space<hbm>> -> memref<1x16384xf32, #tpu.memory_space<hbm>>
        %dma_wait3A_257 = tpu.memref_squeeze %dma_wait3A_256 : memref<1x16384xf32, #tpu.memory_space<hbm>> -> memref<16384xf32, #tpu.memory_space<hbm>>
        %dma_wait3A_258 = tpu.memref_slice %arg4[%sub3A_255, %mul3A_0] : memref<192x262144xf32, #tpu.memory_space<hbm>> -> memref<1x16384xf32, #tpu.memory_space<hbm>>
        %dma_wait3A_259 = tpu.memref_squeeze %dma_wait3A_258 : memref<1x16384xf32, #tpu.memory_space<hbm>> -> memref<16384xf32, #tpu.memory_space<hbm>>
        tpu.wait_dma2 semaphore(%arg13 : memref<!tpu.dma_semaphore, #tpu.memory_space<semaphore_mem>>) src(%arg7 : memref<16384xf32, #tpu.memory_space<vmem>>) dst(%dma_wait3A_259 : memref<16384xf32, #tpu.memory_space<hbm>>)
      } else {
      }
      %barrier3A_193 = arith.constant 0 : index
      tpu.barrier barrier_id(%barrier3A_193)
      %add3A_194 = arith.constant 1 : i32
      %add3A_195 = arith.addi %add3A_178, %add3A_194 : i32
      %add3A_196 = arith.constant 96 : i32
      %add3A_197 = arith.addi %mul3A_2, %add3A_196 : i32
      %lt3A_198 = arith.cmpi slt, %add3A_195, %add3A_197 : i32
      %convert_element_type3A_199 = arith.extui %lt3A_198 : i1 to i32
      %cond3A_200 = arith.constant 0 : i32
      %cond3A_201 = arith.cmpi ne, %convert_element_type3A_199, %cond3A_200 : i32
      scf.if %cond3A_201 {
        %dma_start3A_255 = arith.constant 0 : i32
        %dma_start3A_256 = tpu.memref_slice %arg10[%dma_start3A_255] : memref<262144xf32, #tpu.memory_space<vmem_shared>> -> memref<262144xf32, #tpu.memory_space<vmem_shared>>
        tpu.enqueue_indirect_dma source(%dma_start3A_256 : memref<262144xf32, #tpu.memory_space<vmem_shared>>) target(%arg7 : memref<16384xf32, #tpu.memory_space<vmem>>) offsets(%arg5 : memref<16384xi32, #tpu.memory_space<vmem>>) semaphore(%arg12 : memref<!tpu.dma_semaphore, #tpu.memory_space<semaphore_mem>>)
      } else {
      }
      %add3A_202 = arith.constant 2 : i32
      %add3A_203 = arith.addi %add3A_178, %add3A_202 : i32
      %add3A_204 = arith.constant 96 : i32
      %add3A_205 = arith.addi %mul3A_2, %add3A_204 : i32
      %lt3A_206 = arith.cmpi slt, %add3A_203, %add3A_205 : i32
      %convert_element_type3A_207 = arith.extui %lt3A_206 : i1 to i32
      %cond3A_208 = arith.constant 0 : i32
      %cond3A_209 = arith.cmpi ne, %convert_element_type3A_207, %cond3A_208 : i32
      scf.if %cond3A_209 {
        %add3A_255 = arith.constant 2 : i32
        %add3A_256 = arith.addi %add3A_178, %add3A_255 : i32
        %dma_start3A_257 = tpu.memref_slice %arg8[%mul3A_0] : memref<262144xf32, #tpu.memory_space<vmem_shared>> -> memref<16384xf32, #tpu.memory_space<vmem_shared>>
        %dma_start3A_258 = tpu.memref_slice %arg2[%add3A_256, %mul3A_0] : memref<192x262144xf32, #tpu.memory_space<hbm>> -> memref<1x16384xf32, #tpu.memory_space<hbm>>
        %dma_start3A_259 = tpu.memref_squeeze %dma_start3A_258 : memref<1x16384xf32, #tpu.memory_space<hbm>> -> memref<16384xf32, #tpu.memory_space<hbm>>
        tpu.enqueue_dma source(%dma_start3A_259 : memref<16384xf32, #tpu.memory_space<hbm>>) target(%dma_start3A_257 : memref<16384xf32, #tpu.memory_space<vmem_shared>>) target_semaphore(%arg11 : memref<!tpu.dma_semaphore, #tpu.memory_space<semaphore_mem>>)
      } else {
      }
      %dma_wait3A_210 = arith.constant 0 : i32
      %dma_wait3A_211 = tpu.memref_slice %arg10[%dma_wait3A_210] : memref<262144xf32, #tpu.memory_space<vmem_shared>> -> memref<262144xf32, #tpu.memory_space<vmem_shared>>
      tpu.wait_indirect_dma semaphore(%arg12 : memref<!tpu.dma_semaphore, #tpu.memory_space<semaphore_mem>>) src(%dma_wait3A_211 : memref<262144xf32, #tpu.memory_space<vmem_shared>>) dst(%arg6 : memref<16384xf32, #tpu.memory_space<vmem>>)
      %dma_start3A_212 = tpu.memref_slice %arg4[%add3A_178, %mul3A_0] : memref<192x262144xf32, #tpu.memory_space<hbm>> -> memref<1x16384xf32, #tpu.memory_space<hbm>>
      %dma_start3A_213 = tpu.memref_squeeze %dma_start3A_212 : memref<1x16384xf32, #tpu.memory_space<hbm>> -> memref<16384xf32, #tpu.memory_space<hbm>>
      %dma_start3A_214 = tpu.memref_slice %arg4[%add3A_178, %mul3A_0] : memref<192x262144xf32, #tpu.memory_space<hbm>> -> memref<1x16384xf32, #tpu.memory_space<hbm>>
      %dma_start3A_215 = tpu.memref_squeeze %dma_start3A_214 : memref<1x16384xf32, #tpu.memory_space<hbm>> -> memref<16384xf32, #tpu.memory_space<hbm>>
      tpu.enqueue_dma source(%arg6 : memref<16384xf32, #tpu.memory_space<vmem>>) target(%dma_start3A_215 : memref<16384xf32, #tpu.memory_space<hbm>>) target_semaphore(%arg13 : memref<!tpu.dma_semaphore, #tpu.memory_space<semaphore_mem>>)
      %add3A_216 = arith.constant 5 : i32
      %add3A_217 = arith.addi %add3A_24, %add3A_216 : i32
      %add3A_218 = arith.constant 1 : i32
      %add3A_219 = arith.addi %add3A_217, %add3A_218 : i32
      %add3A_220 = arith.constant 96 : i32
      %add3A_221 = arith.addi %mul3A_2, %add3A_220 : i32
      %lt3A_222 = arith.cmpi slt, %add3A_219, %add3A_221 : i32
      %convert_element_type3A_223 = arith.extui %lt3A_222 : i1 to i32
      %cond3A_224 = arith.constant 0 : i32
      %cond3A_225 = arith.cmpi ne, %convert_element_type3A_223, %cond3A_224 : i32
      scf.if %cond3A_225 {
        %add3A_255 = arith.constant 1 : i32
        %add3A_256 = arith.addi %add3A_217, %add3A_255 : i32
        %dma_wait3A_257 = tpu.memref_slice %arg8[%mul3A_0] : memref<262144xf32, #tpu.memory_space<vmem_shared>> -> memref<16384xf32, #tpu.memory_space<vmem_shared>>
        %dma_wait3A_258 = tpu.memref_slice %arg2[%add3A_256, %mul3A_0] : memref<192x262144xf32, #tpu.memory_space<hbm>> -> memref<1x16384xf32, #tpu.memory_space<hbm>>
        %dma_wait3A_259 = tpu.memref_squeeze %dma_wait3A_258 : memref<1x16384xf32, #tpu.memory_space<hbm>> -> memref<16384xf32, #tpu.memory_space<hbm>>
        tpu.wait_dma2 semaphore(%arg11 : memref<!tpu.dma_semaphore, #tpu.memory_space<semaphore_mem>>) src(%dma_wait3A_259 : memref<16384xf32, #tpu.memory_space<hbm>>) dst(%dma_wait3A_257 : memref<16384xf32, #tpu.memory_space<vmem_shared>>)
      } else {
      }
      %add3A_226 = arith.constant 1 : i32
      %add3A_227 = arith.addi %mul3A_2, %add3A_226 : i32
      %ge3A_228 = arith.cmpi sge, %add3A_217, %add3A_227 : i32
      %convert_element_type3A_229 = arith.extui %ge3A_228 : i1 to i32
      %cond3A_230 = arith.constant 0 : i32
      %cond3A_231 = arith.cmpi ne, %convert_element_type3A_229, %cond3A_230 : i32
      scf.if %cond3A_231 {
        %sub3A = arith.constant 1 : i32
        %sub3A_255 = arith.subi %add3A_217, %sub3A : i32
        %dma_wait3A_256 = tpu.memref_slice %arg4[%sub3A_255, %mul3A_0] : memref<192x262144xf32, #tpu.memory_space<hbm>> -> memref<1x16384xf32, #tpu.memory_space<hbm>>
        %dma_wait3A_257 = tpu.memref_squeeze %dma_wait3A_256 : memref<1x16384xf32, #tpu.memory_space<hbm>> -> memref<16384xf32, #tpu.memory_space<hbm>>
        %dma_wait3A_258 = tpu.memref_slice %arg4[%sub3A_255, %mul3A_0] : memref<192x262144xf32, #tpu.memory_space<hbm>> -> memref<1x16384xf32, #tpu.memory_space<hbm>>
        %dma_wait3A_259 = tpu.memref_squeeze %dma_wait3A_258 : memref<1x16384xf32, #tpu.memory_space<hbm>> -> memref<16384xf32, #tpu.memory_space<hbm>>
        tpu.wait_dma2 semaphore(%arg13 : memref<!tpu.dma_semaphore, #tpu.memory_space<semaphore_mem>>) src(%arg6 : memref<16384xf32, #tpu.memory_space<vmem>>) dst(%dma_wait3A_259 : memref<16384xf32, #tpu.memory_space<hbm>>)
      } else {
      }
      %barrier3A_232 = arith.constant 0 : index
      tpu.barrier barrier_id(%barrier3A_232)
      %add3A_233 = arith.constant 1 : i32
      %add3A_234 = arith.addi %add3A_217, %add3A_233 : i32
      %add3A_235 = arith.constant 96 : i32
      %add3A_236 = arith.addi %mul3A_2, %add3A_235 : i32
      %lt3A_237 = arith.cmpi slt, %add3A_234, %add3A_236 : i32
      %convert_element_type3A_238 = arith.extui %lt3A_237 : i1 to i32
      %cond3A_239 = arith.constant 0 : i32
      %cond3A_240 = arith.cmpi ne, %convert_element_type3A_238, %cond3A_239 : i32
      scf.if %cond3A_240 {
        %dma_start3A_255 = arith.constant 0 : i32
        %dma_start3A_256 = tpu.memref_slice %arg8[%dma_start3A_255] : memref<262144xf32, #tpu.memory_space<vmem_shared>> -> memref<262144xf32, #tpu.memory_space<vmem_shared>>
        tpu.enqueue_indirect_dma source(%dma_start3A_256 : memref<262144xf32, #tpu.memory_space<vmem_shared>>) target(%arg6 : memref<16384xf32, #tpu.memory_space<vmem>>) offsets(%arg5 : memref<16384xi32, #tpu.memory_space<vmem>>) semaphore(%arg12 : memref<!tpu.dma_semaphore, #tpu.memory_space<semaphore_mem>>)
      } else {
      }
      %add3A_241 = arith.constant 2 : i32
      %add3A_242 = arith.addi %add3A_217, %add3A_241 : i32
      %add3A_243 = arith.constant 96 : i32
      %add3A_244 = arith.addi %mul3A_2, %add3A_243 : i32
      %lt3A_245 = arith.cmpi slt, %add3A_242, %add3A_244 : i32
      %convert_element_type3A_246 = arith.extui %lt3A_245 : i1 to i32
      %cond3A_247 = arith.constant 0 : i32
      %cond3A_248 = arith.cmpi ne, %convert_element_type3A_246, %cond3A_247 : i32
      scf.if %cond3A_248 {
        %add3A_255 = arith.constant 2 : i32
        %add3A_256 = arith.addi %add3A_217, %add3A_255 : i32
        %dma_start3A_257 = tpu.memref_slice %arg9[%mul3A_0] : memref<262144xf32, #tpu.memory_space<vmem_shared>> -> memref<16384xf32, #tpu.memory_space<vmem_shared>>
        %dma_start3A_258 = tpu.memref_slice %arg2[%add3A_256, %mul3A_0] : memref<192x262144xf32, #tpu.memory_space<hbm>> -> memref<1x16384xf32, #tpu.memory_space<hbm>>
        %dma_start3A_259 = tpu.memref_squeeze %dma_start3A_258 : memref<1x16384xf32, #tpu.memory_space<hbm>> -> memref<16384xf32, #tpu.memory_space<hbm>>
        tpu.enqueue_dma source(%dma_start3A_259 : memref<16384xf32, #tpu.memory_space<hbm>>) target(%dma_start3A_257 : memref<16384xf32, #tpu.memory_space<vmem_shared>>) target_semaphore(%arg11 : memref<!tpu.dma_semaphore, #tpu.memory_space<semaphore_mem>>)
      } else {
      }
      %dma_wait3A_249 = arith.constant 0 : i32
      %dma_wait3A_250 = tpu.memref_slice %arg8[%dma_wait3A_249] : memref<262144xf32, #tpu.memory_space<vmem_shared>> -> memref<262144xf32, #tpu.memory_space<vmem_shared>>
      tpu.wait_indirect_dma semaphore(%arg12 : memref<!tpu.dma_semaphore, #tpu.memory_space<semaphore_mem>>) src(%dma_wait3A_250 : memref<262144xf32, #tpu.memory_space<vmem_shared>>) dst(%arg7 : memref<16384xf32, #tpu.memory_space<vmem>>)
      %dma_start3A_251 = tpu.memref_slice %arg4[%add3A_217, %mul3A_0] : memref<192x262144xf32, #tpu.memory_space<hbm>> -> memref<1x16384xf32, #tpu.memory_space<hbm>>
      %dma_start3A_252 = tpu.memref_squeeze %dma_start3A_251 : memref<1x16384xf32, #tpu.memory_space<hbm>> -> memref<16384xf32, #tpu.memory_space<hbm>>
      %dma_start3A_253 = tpu.memref_slice %arg4[%add3A_217, %mul3A_0] : memref<192x262144xf32, #tpu.memory_space<hbm>> -> memref<1x16384xf32, #tpu.memory_space<hbm>>
      %dma_start3A_254 = tpu.memref_squeeze %dma_start3A_253 : memref<1x16384xf32, #tpu.memory_space<hbm>> -> memref<16384xf32, #tpu.memory_space<hbm>>
      tpu.enqueue_dma source(%arg7 : memref<16384xf32, #tpu.memory_space<vmem>>) target(%dma_start3A_254 : memref<16384xf32, #tpu.memory_space<hbm>>) target_semaphore(%arg13 : memref<!tpu.dma_semaphore, #tpu.memory_space<semaphore_mem>>)
    }
    %scan3A_16 = arith.constant 16 : i32
    %dma_wait3A_17 = tpu.memref_slice %arg4[%mul3A_2, %mul3A_0] : memref<192x262144xf32, #tpu.memory_space<hbm>> -> memref<1x16384xf32, #tpu.memory_space<hbm>>
    %dma_wait3A_18 = tpu.memref_squeeze %dma_wait3A_17 : memref<1x16384xf32, #tpu.memory_space<hbm>> -> memref<16384xf32, #tpu.memory_space<hbm>>
    %dma_wait3A_19 = tpu.memref_slice %arg4[%mul3A_2, %mul3A_0] : memref<192x262144xf32, #tpu.memory_space<hbm>> -> memref<1x16384xf32, #tpu.memory_space<hbm>>
    %dma_wait3A_20 = tpu.memref_squeeze %dma_wait3A_19 : memref<1x16384xf32, #tpu.memory_space<hbm>> -> memref<16384xf32, #tpu.memory_space<hbm>>
    tpu.wait_dma2 semaphore(%arg13 : memref<!tpu.dma_semaphore, #tpu.memory_space<semaphore_mem>>) src(%arg7 : memref<16384xf32, #tpu.memory_space<vmem>>) dst(%dma_wait3A_20 : memref<16384xf32, #tpu.memory_space<hbm>>)
    return
  }
}

</mosaic_0001>

<sc_bundles>
// kernel: kernel.3.cloned.1.call-start
scs
__scs_entry_jumppad:
0x0: {  	(pc) =	sbr.rel $0x88, $3  }
0x1: {  	(tag) =	ssettag $0x0;
	lr =	simm.s32 $0x1  }
0x2: {  	[smem:$0x3F9F] =	sst lr;
	_ =	strace $0xD0000000  }
0x3: {  	_ = 	snop  }
0x4: {  	_ = 	snop  }
0x5: {  	_ = 	snop  }
0x6: {  	_ = 	snop  }
0x7: {  	_ = 	snop  }
__scs_overlays_trampoline_lowered:
0x8: {  	[smem:$0x3FAE] =	sst s0  }
0x9: {  	[smem:$0x3FAF] =	sst s1  }
0xa: {  	[smem:$0x3FB0] =	sst s2  }
0xb: {  	[smem:$0x3FB1] =	sst s3  }
0xc: {  	[smem:$0x3FB2] =	sst s4  }
0xd: {  	[smem:$0x3FB3] =	sst s5  }
0xe: {  	[smem:$0x3FB4] =	sst s6  }
0xf: {  	[smem:$0x3FB5] =	sst s7  }
0x10: {  	[smem:$0x3FB6] =	sst s8  }
0x11: {  	[smem:$0x3FB7] =	sst s9;
	s0 =	simm.s32 @!p0 $0x0  }
0x12: {  	s1 =	sld [smem:$0x3F9D];
	s0 =	simm.s32 @p0 $0x1  }
0x13: {  	[smem:$0x3FB8] =	sst s0;
	s0 =	simm.s32 @!p1 $0x0  }
0x14: {  	s2 =	sld [smem:$0x3F9C];
	s0 =	simm.s32 @p1 $0x1  }
0x15: {  	[smem:$0x3FB9] =	sst s0;
	s0 =	simm.s32 @!p2 $0x0  }
0x16: {  	s3 =	sld [smem:$0x3FDB];
	s0 =	simm.s32 @p2 $0x1  }
0x17: {  	s4 =	simm.s32 $0x1BF5;
	[smem:$0x3FBB] =	sst s0  }
0x18: {  	s0 =	sld [smem:$0x3F9E];
	_ =	swait.ge [sflag:s4], $0x0  }
0x19: {  	s7 =	sld [smem:$0x3F9F]  }
0x1a: {  	s8 =	sadd.s32 $0xFFFFE003, lr  }
0x1b: {  	s9 =	sadd.s32 $0xFFFFFEF7, lr;
	s5 =	simm.s32 $0xFFFFFFFF;
	p2 =	slt.u32 s8, $0xFFFFF086  }
0x1c: {  	p1 =	slt.u32 s9, $0xF7A;
	s5 =	simm.s32 @!p2 $0x0  }
0x1d: {  	s5 =	simm.s32 @p1 $0x1;
	p0 =	seq.s32 s7, s2  }
0x1e: {  	s7 =	smul.u32 @!p0 $0xF7A, s2;
	p2 =	seq.s32 @!p0 s5, $0x0  }
0x1f: {  	s9 =	smul.u32 $0xF7A, s1;
	s8 =	simm.s32 @!p0 $0x1BF5;
	p2 =	por !p2, p0  }
0x20: {  	[sflag:s8] =	ssyncset.s32 @!p0 $0xFFFFF086;
	s6 =	sadd.s32 @!p0 s3, s7;
	s7 =	simm.s32 @!p0 $0x108  }
0x21: {  	s3 =	sadd.s32 s3, s9;
	s6 =	sadd.s32 @!p0 $0x88, s6;
	s7 =	simm.s32 @p2 $0x1082  }
0x22: {  	[simem:s7], [sflag:s8] =	dma.local @!p0 [hbm:s6], $0xF7A  }
0x23: {  	s9 =	sor.u32 $0xD0000000, s2;
	s6 =	simm.s32 $0x108;
	_ =	swait.ge @!p0 [sflag:s8], $0x0  }
0x24: {  	s3 =	sadd.s32 $0x88, s3;
	s6 =	simm.s32 @!p1 $0x1082;
	[sflag:s4] =	ssyncset.s32 $0xFFFFF086  }
0x25: {  	[simem:s6], [sflag:s4] =	dma.local [hbm:s3], $0xF7A  }
0x26: {  	[smem:$0x3F9F] =	sst s1;
	(tag) =	ssettag s2;
	_ =	strace s9  }
0x27: {  	s1 =	sld [smem:$0x3FAF]  }
0x28: {  	s2 =	sld [smem:$0x3FB0]  }
0x29: {  	s4 =	sld [smem:$0x3FB2]  }
0x2a: {  	p0 =	seq.s32 s5, $0x0;
	s5 =	sld [smem:$0x3FB3]  }
0x2b: {  	s6 =	sld [smem:$0x3FB4]  }
0x2c: {  	s7 =	sld [smem:$0x3FB5]  }
0x2d: {  	s3 =	simm.s32 $0x108;
	s8 =	sld [smem:$0x3FB6]  }
0x2e: {  	s3 =	simm.s32 @!p0 $0x1082;
	s9 =	sld [smem:$0x3FB7]  }
0x2f: {  	lr =	sadd.s32 s0, s3;
	s0 =	sld [smem:$0x3FAE]  }
0x30: {  	s3 =	sld [smem:$0x3FB1]  }
0x31: {  	[smem:$0x3FBA] =	sst s10  }
0x32: {  	s10 =	sld [smem:$0x3FB8];
	_ =	sdelay $0x3  }
0x33: {  	p0 =	seq.s32 s10, $0x1;
	s10 =	sld [smem:$0x3FBA];
	_ =	sdelay $0x3  }
0x34: {  	[smem:$0x3FBA] =	sst s10  }
0x35: {  	s10 =	sld [smem:$0x3FB9];
	_ =	sdelay $0x3  }
0x36: {  	p1 =	seq.s32 s10, $0x1;
	s10 =	sld [smem:$0x3FBA];
	_ =	sdelay $0x3  }
0x37: {  	[smem:$0x3FBA] =	sst s10  }
0x38: {  	s10 =	sld [smem:$0x3FBB]  }
0x39: {  	_ = 	snop;
	(pc) =	sbr.ind lr, $3  }
0x3a: {  	_ = 	snop  }
0x3b: {  	_ = 	snop  }
0x3c: {  	p2 =	seq.s32 s10, $0x1;
	s10 =	sld [smem:$0x3FBA]  }
0x3d: {  	_ =	shalt  }
0x3e: {  	_ =	shalt  }
0x3f: {  	_ =	shalt  }
0x40: {  	_ =	shalt  }
0x41: {  	_ =	shalt  }
0x42: {  	_ =	shalt  }
0x43: {  	_ =	shalt  }
0x44: {  	_ =	shalt  }
0x45: {  	_ =	shalt  }
0x46: {  	_ =	shalt  }
0x47: {  	_ =	shalt  }
0x48: {  	_ =	shalt  }
0x49: {  	_ =	shalt  }
0x4a: {  	_ =	shalt  }
0x4b: {  	_ =	shalt  }
0x4c: {  	_ =	shalt  }
0x4d: {  	_ =	shalt  }
0x4e: {  	_ =	shalt  }
0x4f: {  	_ =	shalt  }
0x50: {  	_ =	shalt  }
0x51: {  	_ =	shalt  }
0x52: {  	_ =	shalt  }
0x53: {  	_ =	shalt  }
0x54: {  	_ =	shalt  }
0x55: {  	_ =	shalt  }
0x56: {  	_ =	shalt  }
0x57: {  	_ =	shalt  }
0x58: {  	_ =	shalt  }
0x59: {  	_ =	shalt  }
0x5a: {  	_ =	shalt  }
0x5b: {  	_ =	shalt  }
0x5c: {  	_ =	shalt  }
0x5d: {  	_ =	shalt  }
0x5e: {  	_ =	shalt  }
0x5f: {  	_ =	shalt  }
0x60: {  	_ =	shalt  }
0x61: {  	_ =	shalt  }
0x62: {  	_ =	shalt  }
0x63: {  	_ =	shalt  }
0x64: {  	_ =	shalt  }
0x65: {  	_ =	shalt  }
0x66: {  	_ =	shalt  }
0x67: {  	_ =	shalt  }
0x68: {  	_ =	shalt  }
0x69: {  	_ =	shalt  }
0x6a: {  	_ =	shalt  }
0x6b: {  	_ =	shalt  }
0x6c: {  	_ =	shalt  }
0x6d: {  	_ =	shalt  }
0x6e: {  	_ =	shalt  }
0x6f: {  	_ =	shalt  }
0x70: {  	_ =	shalt  }
0x71: {  	_ =	shalt  }
0x72: {  	_ =	shalt  }
0x73: {  	_ =	shalt  }
0x74: {  	_ =	shalt  }
0x75: {  	_ =	shalt  }
0x76: {  	_ =	shalt  }
0x77: {  	_ =	shalt  }
0x78: {  	_ =	shalt  }
0x79: {  	_ =	shalt  }
0x7a: {  	_ =	shalt  }
0x7b: {  	_ =	shalt  }
0x7c: {  	_ =	shalt  }
0x7d: {  	_ =	shalt  }
0x7e: {  	_ =	shalt  }
0x7f: {  	_ =	shalt  }
0x80: {  	_ =	shalt  }
0x81: {  	_ =	shalt  }
0x82: {  	_ =	shalt  }
0x83: {  	_ =	shalt  }
0x84: {  	_ =	shalt  }
0x85: {  	_ =	shalt  }
0x86: {  	_ =	shalt  }
0x87: {  	_ =	shalt  }
.Lfunc_end0:
.L_simem_size_0:
called_computation.1_lowered:
.L_overlay_start_0:
0x88: {  	s2 =	sld [smem:$0x3FD9]  }
0x89: {  	s3 =	sld [smem:$0x3FFE];
	_ =	sdelay $0x1  }
0x8a: {  	s1 =	srdreg.scid  }
0x8b: {  	s0 =	sand.u32 $0x1, s1  }
0x8c: {  	s17 =	sshll.u32 s0, $0xA;
	s2 =	sadd.s32 s3, s2  }
0x8d: {  	s2 =	sadd.s32 s2, s17  }
0x8e: {  	[smem:$0x3FC6] =	sst s2  }
0x8f: {  	_ = 	snop  }
0x90: {  	s2 =	sld [smem:$0x3FC8]  }
0x91: {  	s18 =	sld [smem:$0x3FD0];
	(tm) =	ssettm $0x1  }
0x92: {  	s4 =	sld [smem:$0x3FFB];
	_ =	sdelay $0x3  }
0x93: {  	_ =	strace s4  }
0x94: {  	s4 =	sld [smem:$0x3FFC];
	_ =	sdelay $0x3  }
0x95: {  	_ =	strace s4  }
0x96: {  	s4 =	sld [smem:$0x3FFD];
	_ =	sdelay $0x3  }
0x97: {  	_ =	strace s4  }
0x98: {  	_ =	strace $0x8FFFFFFF  }
0x99: {  	s19 =	sld [smem:$0x3FDB];
	_ =	sdelay $0x1  }
0x9a: {  	s5 =	simm.s32 $_scs_section_size  }
0x9b: {  	s6 =	simm.s32 $_size__tile_overlayer_lowered;
	s7 =	simm.s32 $_tile_overlayer_lowered  }
0x9c: {  	s22 =	simm.s32 $0x1BFF;
	s21 =	sshll.u32 s7, $0x1;
	s4 =	sadd.s32 s5, s19  }
0x9d: {  	s8 =	simm.s32 $0x0;
	s20 =	sshll.u32 s6, $0x1;
	s6 =	sadd.s32 s21, s4  }
0x9e: {  	[timem:s8], [sflag:s22] =	dma.local [hbm:s6], s20  }
0x9f: {  	_ =	swait.ge [sflag:s22], s20  }
0xa0: {  	s5 =	ssub.s32 $0x0, s20;
	[sflag:s22] =	ssyncset.done $0x0  }
0xa1: {  	[sflag:s22] =	ssyncadd.s32 s5;
	_ =	sdelay $0x1  }
0xa2: {  	s23 =	simm.s32 $0x1B8B  }
0xa3: {  	_ =	swait.ge [sflag:s23], $0x1  }
0xa4: {  	[sflag:s23] =	ssyncset.done $0x0  }
0xa5: {  	s25 =	simm.s32 $0x1B8E;
	s24 =	sld [smem:$0x3FFE];
	[sflag:s23] =	ssyncadd.s32 $0xFFFFFFFF  }
0xa6: {  	s26 =	simm.s32 $execute0_lowered;
	[smem:$0x3FD2] =	sst s25  }
0xa7: {  	s6 =	sshll.u32 s26, $0x1;
	_ =	strace $0x80000049;
	[dreg:$0x1] =	wrdreg $0xFFFFFFFF  }
0xa8: {  	s28 =	simm.s32 $_size_execute0_lowered;
	s4 =	sadd.s32 s4, s6;
	[dreg:$0x0] =	wrdreg $0x0  }
0xa9: {  	s6 =	sshll.u32 s28, $0x1;
	[dreg:$0x2] =	wrdreg s4  }
0xaa: {  	[dreg:$0x3] =	wrdreg s6  }
0xab: {  	[dreg:$0x4] =	wrdreg $0xC0  }
0xac: {  	_ =	task [dreg:s8], $0x5FFFF  }
0xad: {  	[dreg:$0x1] =	wrdreg $0xFFFFFFFF  }
0xae: {  	[dreg:$0x0] =	wrdreg $0x60  }
0xaf: {  	[dreg:$0x2] =	wrdreg s18  }
0xb0: {  	[dreg:$0x3] =	wrdreg s2  }
0xb1: {  	[dreg:$0x4] =	wrdreg s24  }
0xb2: {  	[dreg:$0x5] =	wrdreg $0xC0000  }
0xb3: {  	[dreg:$0x6] =	wrdreg $0x100000  }
0xb4: {  	[dreg:$0x7] =	wrdreg $0x140000  }
0xb5: {  	[dreg:$0x8] =	wrdreg $0x9  }
0xb6: {  	_ =	task.clear_ibuf [dreg:s8], $0x9FFFF;
	_ =	strace $0x90000049  }
0xb7: {  	s29 =	simm.s32 $0x9;
	_ =	strace $0x8000004B  }
0xb8: {  	_ =	swait.ge [sflag:s29], $0x1  }
0xb9: {  	[sflag:s29] =	ssyncadd.s32 $0xFFFFFFFF  }
0xba: {  	_ =	strace $0x9000004B  }
0xbb: {  	_ =	sfence  }
0xbc: {  	s30 =	sld [smem:$0x0];
	_ =	sdelay $0x2  }
0xbd: {  	s31 =	sshll.u32 s1, $0xD;
	s1 =	sshrl.u32 s1, $0x2  }
0xbe: {  	s3 =	sand.u32 $0x4000, s31;
	s1 =	sadd.s32 s1, s30  }
0xbf: {  	s0 =	sor.u32 s3, s0;
	s1 =	sshll.u32 s1, $0x11  }
0xc0: {  	s0 =	sor.u32 s1, s0  }
0xc1: {  	s0 =	sadd.s32 $0x8F2B, s0  }
0xc2: {  	[sflag:s0] =	ssyncadd.remote.s32 $0x1  }
0xc3: {  	_ =	sfence.sel $0xFFFF  }
0xc4: {  	[dreg:$0x0] =	wrdreg $0xFFFFFFFF;
	(pc) =	sbr.abs _section_cstart, $3  }
0xc5: {  	[dreg:$0x1] =	wrdreg $0xFFFFFFFF  }
0xc6: {  	_ =	task.clear_ibuf [dreg:s8], $0x2FFFF;
	_ =	strace $0x9FFFFFFF  }
0xc7: {  	(tm) =	ssettm $0x7FFFFFFF  }
tec
execute0_lowered:
.L_overlay_start_1:
0x0: {  	(tag) =	ssettag $0x1  }
0x1: {  	s1 =	rddreg [dreg:$0x0]  }
0x2: {  	s0 =	rddreg [dreg:$0x1]  }
0x3: {  	s2 =	rddreg [dreg:$0x2]  }
0x4: {  	s11 =	rddreg [dreg:$0x3]  }
0x5: {  	s21 =	rddreg [dreg:$0x4]  }
0x6: {  	s6 =	rddreg [dreg:$0x5];
	s25 =	simm.s32 $0x0;
	s3 =	srdreg.scid  }
0x7: {  	s12 =	stileid.u32;
	[smem:$0x7FF] =	sst s25  }
0x8: {  	s3 =	sand.u32 $0x1, s3;
	s8 =	sshll.u32 s12, $0x11;
	s2 =	sadd.s32 $0x800, s2  }
0x9: {  	s20 =	sshll.u32 s12, $0xB;
	_ =	strace $0x8000004A;
	[dreg:$0x10] =	wrdreg s2  }
0xa: {  	s10 =	sshll.u32 s12, $0xE;
	s0 =	sadd.s32 s0, s20;
	[dreg:$0xf] =	wrdreg s8  }
0xb: {  	s4 =	ssub.s32 $0x2, s3;
	s23 =	sadd.s32 s10, s21;
	[dreg:$0x13] =	wrdreg s0  }
0xc: {  	s7 =	smul.u32 $0x1800000, s3;
	s28 =	sor.u32 $0x80, s8;
	[dreg:$0x8] =	wrdreg s23  }
0xd: {  	s19 =	smul.u32 $0x60, s3;
	s24 =	sadd.s32 s10, s6;
	[dreg:$0x7] =	wrdreg s28  }
0xe: {  	s13 =	smul.u32 $0x3000, s3;
	s14 =	sshrl.u32 s24, $0x3;
	[dreg:$0x12] =	wrdreg s7  }
0xf: {  	s5 =	sshrl.u32 s4, $0x1;
	[dreg:$0xd] =	wrdreg s14  }
0x10: {  	s16 =	ssub.s32 s4, s5;
	s29 =	sor.u32 $0x7, s19;
	[dreg:$0xe] =	wrdreg s13  }
0x11: {  	s18 =	sor.u32 s8, s7;
	s17 =	sadd.s32 $0x60, s19;
	[dreg:$0x17] =	wrdreg s29  }
0x12: {  	s4 =	sshrl.u32 s18, $0x3;
	s2 =	smax.u32 s16, $0x1;
	[dreg:$0x9] =	wrdreg s17  }
0x13: {  	s30 =	sshll.u32 s12, $0x6;
	s22 =	sadd.s32 s1, s4;
	[dreg:$0x16] =	wrdreg s2  }
0x14: {  	s2 =	sor.u32 $0x1C01, s30;
	[dreg:$0x14] =	wrdreg s22  }
0x15: {  	s1 =	sadd.s32 s10, s11;
	[dreg:$0xb] =	wrdreg s2  }
0x16: {  	s26 =	simm.s32 $0x10;
	s0 =	sadd.s32 $0x10, s22;
	[dreg:$0x11] =	wrdreg s1  }
0x17: {  	s15 =	simm.s32 $0x4000;
	s31 =	sshrl.u32 s1, $0x3;
	[dreg:$0x15] =	wrdreg s0  }
0x18: {  	s3 =	simm.s32 $0x0;
	s22 =	simm.s32 $0x1;
	[dreg:$0xa] =	wrdreg s31  }
.LBB2_1:
0x19: {  	[dreg:$0x18] =	wrdreg s3  }
0x1a: {  	s0 =	rddreg [dreg:$0x13];
	s5 =	simm.s32 $0x4  }
0x1b: {  	[tilespmem:s25], [sflag:$0x4] =	stream.linear.gather [hbm4b:s0+s25], $0x4000, $0x38;
	[tilespmem:$0x18000] =	vst v63  }
0x1c: {  	_ =	swait.ge [sflag:s5], $0x4000  }
0x1d: {  	s7 =	rddreg [dreg:$0x14]  }
0x1e: {  	[sflag:s5] =	ssyncset.done $0x0;
	s16 =	rddreg [dreg:$0xa]  }
0x1f: {  	s23 =	simm.s32 $0x80;
	s18 =	rddreg [dreg:$0xb];
	[sflag:s5] =	ssyncadd.s32 $0xFFFFC000  }
0x20: {  	[spmem:s16@s26], [sflag:s18] =	dma.strided [hbm:s7@s23], $0x800, s22, $0x10   }
0x21: {  	s0 =	rddreg [dreg:$0x8]  }
0x22: {  	s8 =	rddreg [dreg:$0x15];
	s30 =	sshrl.u32 s0, $0x3  }
0x23: {  	[spmem:s30@s26], [sflag:s18] =	dma.strided [hbm:s8@s23], $0x800, s22, $0x10   }
0x24: {  	_ =	swait.ge [sflag:s22], $0x800  }
0x25: {  	[sflag:s22] =	ssyncset.done $0x0  }
0x26: {  	[sflag:s22] =	ssyncadd.s32 $0xFFFFF800  }
0x27: {  	[bflag:$0x0] =	sbarrier.arrive $0xFFFF  }
0x28: {  	s5 =	rddreg [dreg:$0x3]  }
0x29: {  	[tilespmem:s15], [sflag:$0x2] =	stream.indirect.gather [spmem:s5], $0x1, s25, s15, $0xb8;
	[tilespmem:$0x18000] =	vst v63  }
0x2a: {  	s12 =	rddreg [dreg:$0x12];
	_ =	swait.ge [sflag:s22], $0x800  }
0x2b: {  	p0 =	por $0x1, $0x1;
	s24 =	simm.s32 $0x8000;
	[sflag:s22] =	ssyncset.done $0x0  }
0x2c: {  	s3 =	simm.s32 @!p0 $0x3;
	s0 =	sadd.s32 $0x0, s13;
	[sflag:s22] =	ssyncadd.s32 $0xFFFFF800  }
0x2d: {  	s4 =	sadd.s32 $0x100, s0;
	s2 =	sadd.s32 $0x80000, s12;
	_ =	swait.ge @!p0 [sflag:s3], $0x4000  }
0x2e: {  	s4 =	sand.u32 $0x300, s4;
	s2 =	sand.u32 $0x7E00000, s2;
	[sflag:s3] =	ssyncset.done @!p0 $0x0  }
0x2f: {  	s2 =	sor.u32 s2, s4;
	s8 =	rddreg [dreg:$0xf];
	[sflag:s3] =	ssyncadd.s32 @!p0 $0xFFFFC000  }
0x30: {  	s29 =	simm.s32 $0x2;
	s2 =	sor.u32 s8, s2;
	[bflag:$0x0] =	sbarrier.arrive $0xFFFF  }
0x31: {  	s4 =	sand.u32 $0x300, s25;
	s2 =	sshrl.u32 s2, $0x3;
	s11 =	rddreg [dreg:$0x0]  }
0x32: {  	[tilespmem:s24], [sflag:$0x2] =	stream.indirect.gather [spmem:s21], $0x1, s25, s15, $0xb8;
	[tilespmem:$0x18000] =	vst v63  }
0x33: {  	s7 =	sand.u32 $0x3E00000, s12;
	s9 =	sor.u32 s4, s8;
	s10 =	sadd.s32 s11, s2  }
0x34: {  	[spmem:s14@s26], [sflag:s18] =	dma.strided [hbm:s10@s23], $0x800, s22, $0x10   }
0x35: {  	s3 =	sor.u32 s7, s9;
	_ =	swait.ge [sflag:s29], $0x4000  }
0x36: {  	s3 =	sshrl.u32 s3, $0x3;
	[sflag:s29] =	ssyncset.done $0x0;
	s9 =	rddreg [dreg:$0x10]  }
0x37: {  	s20 =	simm.s32 $0x400;
	s3 =	sadd.s32 s9, s3;
	[sflag:s29] =	ssyncadd.s32 $0xFFFFC000  }
0x38: {  	[hbm4b:s3+s23] =	stream.strided.scatter [tilespmem:s15], [sflag:$0x3], $0x4000, s20, s23, $0x38;
	[tilespmem:$0x18000] =	vst v63  }
0x39: {  	s28 =	sadd.s32 $0x180, s0;
	_ =	swait.ge [sflag:s22], $0x800  }
0x3a: {  	s19 =	sadd.s32 $0xC0000, s12;
	s10 =	sand.u32 $0x380, s28;
	[sflag:s22] =	ssyncset.done $0x0  }
0x3b: {  	s28 =	simm.s32 $0x3;
	s3 =	sand.u32 $0x7E00000, s19;
	[sflag:s22] =	ssyncadd.s32 $0xFFFFF800  }
0x3c: {  	s3 =	sor.u32 s3, s10;
	_ =	swait.ge [sflag:s28], $0x4000  }
0x3d: {  	s3 =	sor.u32 s8, s3;
	[sflag:s28] =	ssyncset.done $0x0  }
0x3e: {  	s3 =	sshrl.u32 s3, $0x3;
	[sflag:s28] =	ssyncadd.s32 $0xFFFFC000  }
0x3f: {  	s31 =	sadd.s32 s11, s3;
	[bflag:$0x0] =	sbarrier.arrive $0xFFFF  }
0x40: {  	[tilespmem:s15], [sflag:$0x2] =	stream.indirect.gather [spmem:s6], $0x1, s25, s15, $0xb8;
	[tilespmem:$0x18000] =	vst v63  }
0x41: {  	[spmem:s16@s26], [sflag:s18] =	dma.strided [hbm:s31@s23], $0x800, s22, $0x10   }
0x42: {  	_ =	swait.ge [sflag:s29], $0x4000  }
0x43: {  	s19 =	rddreg [dreg:$0x7]  }
0x44: {  	s4 =	sor.u32 s19, s4  }
0x45: {  	s4 =	sor.u32 s7, s4  }
0x46: {  	[sflag:s29] =	ssyncset.done $0x0;
	s4 =	sshrl.u32 s4, $0x3  }
0x47: {  	[sflag:s29] =	ssyncadd.s32 $0xFFFFC000;
	s4 =	sadd.s32 s9, s4  }
0x48: {  	[hbm4b:s4+s23] =	stream.strided.scatter [tilespmem:s24], [sflag:$0x3], $0x4000, s20, s23, $0x38;
	[tilespmem:$0x18000] =	vst v63  }
0x49: {  	_ =	swait.ge [sflag:s22], $0x800  }
0x4a: {  	[sflag:s22] =	ssyncset.done $0x0  }
0x4b: {  	s10 =	sadd.s32 $0x200, s0;
	s31 =	sadd.s32 $0x100000, s12;
	[sflag:s22] =	ssyncadd.s32 $0xFFFFF800  }
0x4c: {  	s7 =	sand.u32 $0x300, s10;
	s4 =	sand.u32 $0x7E00000, s31;
	_ =	swait.ge [sflag:s28], $0x4000  }
0x4d: {  	s4 =	sor.u32 s4, s7;
	[sflag:s28] =	ssyncset.done $0x0  }
0x4e: {  	s4 =	sor.u32 s8, s4;
	[sflag:s28] =	ssyncadd.s32 $0xFFFFC000  }
0x4f: {  	s19 =	sshrl.u32 s4, $0x3;
	[bflag:$0x0] =	sbarrier.arrive $0xFFFF  }
0x50: {  	[tilespmem:s24], [sflag:$0x2] =	stream.indirect.gather [spmem:s5], $0x1, s25, s15, $0xb8;
	[tilespmem:$0x18000] =	vst v63  }
0x51: {  	s4 =	sadd.s32 s11, s19;
	[dreg:$0xc] =	wrdreg s30  }
0x52: {  	[spmem:s30@s26], [sflag:s18] =	dma.strided [hbm:s4@s23], $0x800, s22, $0x10   }
0x53: {  	_ =	swait.ge [sflag:s29], $0x4000  }
0x54: {  	[sflag:s29] =	ssyncset.done $0x0  }
0x55: {  	s2 =	sadd.s32 s9, s2;
	[sflag:s29] =	ssyncadd.s32 $0xFFFFC000  }
0x56: {  	[hbm4b:s2+s23] =	stream.strided.scatter [tilespmem:s15], [sflag:$0x3], $0x4000, s20, s23, $0x38;
	[tilespmem:$0x18000] =	vst v63  }
0x57: {  	_ =	swait.ge [sflag:s22], $0x800  }
0x58: {  	s0 =	sadd.s32 $0x280, s0;
	s16 =	sadd.s32 $0x140000, s12;
	[sflag:s22] =	ssyncset.done $0x0  }
0x59: {  	s0 =	sand.u32 $0x380, s0;
	s2 =	sand.u32 $0x7E00000, s16;
	[sflag:s22] =	ssyncadd.s32 $0xFFFFF800  }
0x5a: {  	s0 =	sor.u32 s2, s0;
	_ =	swait.ge [sflag:s28], $0x4000  }
0x5b: {  	s0 =	sor.u32 s8, s0;
	[sflag:s28] =	ssyncset.done $0x0  }
0x5c: {  	s16 =	sshrl.u32 s0, $0x3;
	[sflag:s28] =	ssyncadd.s32 $0xFFFFC000  }
0x5d: {  	s0 =	sadd.s32 s11, s16;
	[bflag:$0x0] =	sbarrier.arrive $0xFFFF  }
0x5e: {  	[tilespmem:s15], [sflag:$0x2] =	stream.indirect.gather [spmem:s21], $0x1, s25, s15, $0xb8;
	[tilespmem:$0x18000] =	vst v63  }
0x5f: {  	[spmem:s14@s26], [sflag:s18] =	dma.strided [hbm:s0@s23], $0x800, s22, $0x10   }
0x60: {  	s10 =	simm.s32 $0x300;
	_ =	swait.ge [sflag:s29], $0x4000  }
0x61: {  	s31 =	sadd.s32 s9, s3;
	s18 =	rddreg [dreg:$0x17];
	[sflag:s29] =	ssyncset.done $0x0  }
0x62: {  	s14 =	sadd.s32 $0x180000, s12;
	s30 =	sadd.s32 $0xFFFFFFFF, s18;
	[sflag:s29] =	ssyncadd.s32 $0xFFFFC000  }
0x63: {  	[hbm4b:s31+s23] =	stream.strided.scatter [tilespmem:s24], [sflag:$0x3], $0x4000, s20, s23, $0x38;
	[tilespmem:$0x18000] =	vst v63  }
0x64: {  	p2 =	sge.u32 s18, s17;
	p1 =	sge.u32 s30, s17;
	_ =	swait.ge [sflag:s22], $0x800  }
0x65: {  	s4 =	sadd.s32 @!p2 $0x1C0000, s12;
	s0 =	sadd.s32 @!p1 $0x0, s13;
	[sflag:s22] =	ssyncset.done $0x0  }
0x66: {  	s2 =	sadd.s32 @!p1 $0x180000, s12;
	s3 =	simm.s32 @p1 $0x2;
	[sflag:s22] =	ssyncadd.s32 $0xFFFFF800  }
0x67: {  	s4 =	sand.u32 @!p2 $0x7E00000, s4;
	s7 =	simm.s32 @p1 $0x4000;
	_ =	swait.ge [sflag:s28], $0x4000  }
0x68: {  	s12 =	simm.s32 @p1 $0x400;
	s0 =	sadd.s32 @!p1 $0x300, s0;
	[sflag:s28] =	ssyncset.done $0x0  }
0x69: {  	s2 =	sand.u32 @!p1 $0x7E00000, s2;
	s0 =	sand.u32 @!p1 $0x300, s0;
	[sflag:s28] =	ssyncadd.s32 $0xFFFFC000  }
0x6a: {  	s0 =	sor.u32 @!p1 s2, s0;
	s2 =	sadd.s32 @!p2 $0x0, s13;
	[bflag:$0x0] =	sbarrier.arrive $0xFFFF  }
0x6b: {  	[tilespmem:s24], [sflag:$0x2] =	stream.indirect.gather [spmem:s6], $0x1, s25, s15, $0xb8;
	[tilespmem:$0x18000] =	vst v63  }
0x6c: {  	s0 =	sor.u32 @!p1 s8, s0;
	s2 =	sadd.s32 @!p2 $0x380, s2;
	_ =	swait.ge @p1 [sflag:s3], $0x4000  }
0x6d: {  	s11 =	sand.u32 @!p2 $0x380, s2;
	s2 =	simm.s32 @p1 $0x80;
	[sflag:s3] =	ssyncset.done @p1 $0x0  }
0x6e: {  	s0 =	sshrl.u32 @!p1 s0, $0x3;
	[sflag:s3] =	ssyncadd.s32 @p1 $0xFFFFC000;
	s3 =	sadd.s32 @p1 s9, s19  }
0x6f: {  	[hbm4b:s3+s2] =	stream.strided.scatter @p1 [tilespmem:s7], [sflag:$0x3], $0x4000, s12, s2, $0x38;
	[tilespmem:$0x18000] =	vst v63  }
0x70: {  	s4 =	sor.u32 @!p2 s4, s11;
	s7 =	simm.s32 @p1 $0x3;
	s3 =	simm.s32 @!p1 $0x3  }
0x71: {  	s2 =	simm.s32 @!p1 $0x0;
	s12 =	simm.s32 @!p1 $0x2;
	_ =	swait.ge @p1 [sflag:s7], $0x4000  }
.LBB2_2:
0x72: {  	[sflag:s7] =	ssyncset.done @p1 $0x0  }
0x73: {  	s11 =	simm.s32 @!p1 $0x10;
	s13 =	simm.s32 @!p1 $0x80;
	[sflag:s7] =	ssyncadd.s32 @p1 $0xFFFFC000  }
0x74: {  	s5 =	simm.s32 @!p1 $0x1;
	s17 =	rddreg [dreg:$0x0];
	[bflag:$0x0] =	sbarrier.arrive @p1 $0xFFFF  }
0x75: {  	s7 =	sshrl.u32 @!p1 s1, $0x3;
	s0 =	sadd.s32 @!p1 s17, s0;
	s31 =	rddreg [dreg:$0xb]  }
0x76: {  	[spmem:s7@s11], [sflag:s31] =	dma.strided @!p1 [hbm:s0@s13], $0x800, s5, $0x10   }
0x77: {  	s30 =	smov.u32 s6;
	s26 =	smov.u32 s21;
	_ =	swait.ge @!p1 [sflag:s12], $0x4000  }
0x78: {  	s15 =	simm.s32 @!p1 $0x4000;
	[sflag:s12] =	ssyncset.done @!p1 $0x0;
	s29 =	rddreg [dreg:$0x10]  }
0x79: {  	s23 =	simm.s32 @!p1 $0x400;
	s19 =	sadd.s32 @!p1 s29, s19;
	[sflag:s12] =	ssyncadd.s32 @!p1 $0xFFFFC000  }
0x7a: {  	[hbm4b:s19+s13] =	stream.strided.scatter @!p1 [tilespmem:s15], [sflag:$0x3], $0x4000, s23, s13, $0x38;
	[tilespmem:$0x18000] =	vst v63  }
0x7b: {  	s28 =	sadd.s32 $0x140000, s14;
	s9 =	rddreg [dreg:$0xf];
	_ =	swait.ge @!p1 [sflag:s5], $0x800  }
0x7c: {  	p3 =	seq.s32 s10, $0x0;
	s20 =	simm.s32 $0x400;
	[sflag:s5] =	ssyncset.done @!p1 $0x0  }
0x7d: {  	s21 =	smov.u32 s26;
	s6 =	smov.u32 s30;
	[sflag:s5] =	ssyncadd.s32 @!p1 $0xFFFFF800  }
0x7e: {  	s30 =	simm.s32 $0x80;
	s7 =	sand.u32 $0x300, s10;
	_ =	swait.ge @!p1 [sflag:s3], $0x4000  }
0x7f: {  	s0 =	sand.u32 $0x3E00000, s14;
	s1 =	sor.u32 s7, s9;
	[sflag:s3] =	ssyncset.done @!p1 $0x0  }
0x80: {  	s12 =	simm.s32 @!p2 $0x80;
	s13 =	sor.u32 @!p2 s9, s4;
	[sflag:s3] =	ssyncadd.s32 @!p1 $0xFFFFC000  }
0x81: {  	s8 =	sor.u32 s0, s1;
	s5 =	sshrl.u32 @!p2 s13, $0x3;
	[bflag:$0x0] =	sbarrier.arrive @!p1 $0xFFFF  }
0x82: {  	s23 =	simm.s32 @!p2 $0x1;
	s5 =	sadd.s32 @!p2 s17, s5;
	s13 =	rddreg [dreg:$0x8]  }
0x83: {  	s3 =	simm.s32 @!p2 $0x10;
	s25 =	rddreg [dreg:$0x3];
	s13 =	sshrl.u32 @!p2 s13, $0x3  }
0x84: {  	[tilespmem:s15], [sflag:$0x2] =	stream.indirect.gather @!p1 [spmem:s25], $0x1, s2, s15, $0xb8;
	[tilespmem:$0x18000] =	vst v63  }
0x85: {  	[spmem:s13@s3], [sflag:s31] =	dma.strided @!p2 [hbm:s5@s12], $0x800, s23, $0x10   }
0x86: {  	s19 =	sshrl.u32 s8, $0x3;
	s25 =	simm.s32 $0x0;
	s23 =	simm.s32 $0x2  }
0x87: {  	s12 =	sadd.s32 s29, s16;
	s16 =	sand.u32 $0x7E00000, s28;
	_ =	swait.ge [sflag:s23], $0x4000  }
0x88: {  	s3 =	sadd.s32 $0x80000, s14;
	s13 =	sadd.s32 $0xC0000, s14;
	[sflag:s23] =	ssyncset.done $0x0  }
0x89: {  	s28 =	simm.s32 $0x8000;
	s8 =	rddreg [dreg:$0xe];
	[sflag:s23] =	ssyncadd.s32 $0xFFFFC000  }
0x8a: {  	[hbm4b:s12+s30] =	stream.strided.scatter [tilespmem:s28], [sflag:$0x3], $0x4000, s20, s30, $0x38;
	[tilespmem:$0x18000] =	vst v63  }
0x8b: {  	s2 =	sand.u32 $0x7E00000, s13;
	s24 =	rddreg [dreg:$0xa];
	_ =	swait.ge [sflag:s22], $0x800  }
0x8c: {  	s3 =	sand.u32 $0x7E00000, s3;
	s5 =	sadd.s32 s10, s8;
	[sflag:s22] =	ssyncset.done $0x0  }
0x8d: {  	s12 =	simm.s32 @!p3 $0x3;
	s15 =	sadd.s32 $0x100, s5;
	[sflag:s22] =	ssyncadd.s32 $0xFFFFF800  }
0x8e: {  	s1 =	sadd.s32 $0x180, s5;
	s13 =	sand.u32 $0x300, s15;
	_ =	swait.ge @!p3 [sflag:s12], $0x4000  }
0x8f: {  	s1 =	sand.u32 $0x380, s1;
	s3 =	sor.u32 s3, s13;
	[sflag:s12] =	ssyncset.done @!p3 $0x0  }
0x90: {  	s2 =	sor.u32 s2, s1;
	s3 =	sor.u32 s9, s3;
	[sflag:s12] =	ssyncadd.s32 @!p3 $0xFFFFC000  }
0x91: {  	s1 =	simm.s32 $0x4000;
	s3 =	sshrl.u32 s3, $0x3;
	[bflag:$0x0] =	sbarrier.arrive $0xFFFF  }
0x92: {  	[tilespmem:s28], [sflag:$0x2] =	stream.indirect.gather [spmem:s21], $0x1, s25, s1, $0xb8;
	[tilespmem:$0x18000] =	vst v63  }
0x93: {  	s26 =	simm.s32 $0x10;
	s12 =	sadd.s32 s17, s3;
	s15 =	rddreg [dreg:$0xd]  }
0x94: {  	[spmem:s15@s26], [sflag:s31] =	dma.strided [hbm:s12@s30], $0x800, s22, $0x10   }
0x95: {  	s4 =	sadd.s32 $0x100000, s14;
	s13 =	sadd.s32 $0x200, s5;
	_ =	swait.ge [sflag:s23], $0x4000  }
0x96: {  	s4 =	sand.u32 $0x7E00000, s4;
	s13 =	sand.u32 $0x300, s13;
	[sflag:s23] =	ssyncset.done $0x0  }
0x97: {  	s19 =	sadd.s32 s29, s19;
	s4 =	sor.u32 s4, s13;
	[sflag:s23] =	ssyncadd.s32 $0xFFFFC000  }
0x98: {  	[hbm4b:s19+s30] =	stream.strided.scatter [tilespmem:s1], [sflag:$0x3], $0x4000, s20, s30, $0x38;
	[tilespmem:$0x18000] =	vst v63  }
0x99: {  	s5 =	sadd.s32 $0x280, s5;
	s4 =	sor.u32 s9, s4;
	_ =	swait.ge [sflag:s22], $0x800  }
0x9a: {  	s12 =	sand.u32 $0x380, s5;
	s19 =	sshrl.u32 s4, $0x3;
	[sflag:s22] =	ssyncset.done $0x0  }
0x9b: {  	s4 =	sor.u32 s16, s12;
	s12 =	simm.s32 $0x3;
	[sflag:s22] =	ssyncadd.s32 $0xFFFFF800  }
0x9c: {  	_ =	swait.ge [sflag:s12], $0x4000  }
0x9d: {  	s2 =	sor.u32 s9, s2;
	[sflag:s12] =	ssyncset.done $0x0  }
0x9e: {  	s2 =	sshrl.u32 s2, $0x3;
	[sflag:s12] =	ssyncadd.s32 $0xFFFFC000  }
0x9f: {  	s13 =	sadd.s32 s17, s2;
	[bflag:$0x0] =	sbarrier.arrive $0xFFFF  }
0xa0: {  	[tilespmem:s1], [sflag:$0x2] =	stream.indirect.gather [spmem:s6], $0x1, s25, s1, $0xb8;
	[tilespmem:$0x18000] =	vst v63  }
0xa1: {  	[spmem:s24@s26], [sflag:s31] =	dma.strided [hbm:s13@s30], $0x800, s22, $0x10   }
0xa2: {  	_ =	swait.ge [sflag:s23], $0x4000  }
0xa3: {  	s4 =	sor.u32 s9, s4;
	s5 =	rddreg [dreg:$0x7]  }
0xa4: {  	s16 =	sshrl.u32 s4, $0x3;
	s4 =	sor.u32 s5, s7  }
0xa5: {  	s0 =	sor.u32 s0, s4  }
0xa6: {  	[sflag:s23] =	ssyncset.done $0x0;
	s0 =	sshrl.u32 s0, $0x3  }
0xa7: {  	[sflag:s23] =	ssyncadd.s32 $0xFFFFC000;
	s0 =	sadd.s32 s29, s0  }
0xa8: {  	[hbm4b:s0+s30] =	stream.strided.scatter [tilespmem:s28], [sflag:$0x3], $0x4000, s20, s30, $0x38;
	[tilespmem:$0x18000] =	vst v63  }
0xa9: {  	_ =	swait.ge [sflag:s22], $0x800  }
0xaa: {  	[sflag:s22] =	ssyncset.done $0x0  }
0xab: {  	[sflag:s22] =	ssyncadd.s32 $0xFFFFF800  }
0xac: {  	_ =	swait.ge [sflag:s12], $0x4000  }
0xad: {  	[sflag:s12] =	ssyncset.done $0x0  }
0xae: {  	[sflag:s12] =	ssyncadd.s32 $0xFFFFC000  }
0xaf: {  	[bflag:$0x0] =	sbarrier.arrive $0xFFFF  }
0xb0: {  	s13 =	rddreg [dreg:$0x3]  }
0xb1: {  	s7 =	sadd.s32 s17, s19;
	s24 =	rddreg [dreg:$0xc]  }
0xb2: {  	[tilespmem:s28], [sflag:$0x2] =	stream.indirect.gather [spmem:s13], $0x1, s25, s1, $0xb8;
	[tilespmem:$0x18000] =	vst v63  }
0xb3: {  	[spmem:s24@s26], [sflag:s31] =	dma.strided [hbm:s7@s30], $0x800, s22, $0x10   }
0xb4: {  	_ =	swait.ge [sflag:s23], $0x4000  }
0xb5: {  	[sflag:s23] =	ssyncset.done $0x0  }
0xb6: {  	s5 =	sadd.s32 s29, s3;
	[sflag:s23] =	ssyncadd.s32 $0xFFFFC000  }
0xb7: {  	[hbm4b:s5+s30] =	stream.strided.scatter [tilespmem:s1], [sflag:$0x3], $0x4000, s20, s30, $0x38;
	[tilespmem:$0x18000] =	vst v63  }
0xb8: {  	_ =	swait.ge [sflag:s22], $0x800  }
0xb9: {  	[sflag:s22] =	ssyncset.done $0x0  }
0xba: {  	[sflag:s22] =	ssyncadd.s32 $0xFFFFF800  }
0xbb: {  	_ =	swait.ge [sflag:s12], $0x4000  }
0xbc: {  	s18 =	sadd.s32 $0x6, s18;
	[sflag:s12] =	ssyncset.done $0x0  }
0xbd: {  	s11 =	smov.u32 s10;
	s10 =	sadd.s32 $0x300, s10;
	[sflag:s12] =	ssyncadd.s32 $0xFFFFC000  }
0xbe: {  	p0 =	sne.s32 s10, $0x3000;
	s13 =	sadd.s32 $0xFFFFFFFF, s18;
	[bflag:$0x0] =	sbarrier.arrive $0xFFFF  }
0xbf: {  	s7 =	sadd.s32 s17, s16;
	s24 =	sadd.s32 s29, s2;
	s17 =	rddreg [dreg:$0x9]  }
0xc0: {  	[tilespmem:s1], [sflag:$0x2] =	stream.indirect.gather [spmem:s21], $0x1, s25, s1, $0xb8;
	[tilespmem:$0x18000] =	vst v63  }
0xc1: {  	[spmem:s15@s26], [sflag:s31] =	dma.strided [hbm:s7@s30], $0x800, s22, $0x10   }
0xc2: {  	p1 =	sge.u32 s13, s17;
	s31 =	simm.s32 $0x400;
	p2 =	sge.u32 s18, s17  }
0xc3: {  	_ =	swait.ge [sflag:s23], $0x4000;
	s2 =	sadd.s32 @!p1 s11, s8;
	s3 =	sadd.s32 @!p1 $0x180000, s14  }
0xc4: {  	s4 =	simm.s32 @p1 $0x2;
	s13 =	simm.s32 @p1 $0x4000;
	[sflag:s23] =	ssyncset.done $0x0  }
0xc5: {  	s7 =	simm.s32 @p1 $0x3;
	s15 =	simm.s32 @p1 $0x400;
	[sflag:s23] =	ssyncadd.s32 $0xFFFFC000  }
0xc6: {  	[hbm4b:s24+s30] =	stream.strided.scatter [tilespmem:s28], [sflag:$0x3], $0x4000, s20, s30, $0x38;
	[tilespmem:$0x18000] =	vst v63  }
0xc7: {  	s2 =	sadd.s32 @!p1 $0x300, s2;
	s3 =	sand.u32 @!p1 $0x7E00000, s3;
	_ =	swait.ge [sflag:s22], $0x800  }
0xc8: {  	s23 =	simm.s32 $0x80;
	s0 =	sand.u32 @!p1 $0x300, s2;
	[sflag:s22] =	ssyncset.done $0x0  }
0xc9: {  	s2 =	sadd.s32 @!p2 s11, s8;
	s0 =	sor.u32 @!p1 s3, s0;
	[sflag:s22] =	ssyncadd.s32 $0xFFFFF800  }
0xca: {  	s2 =	sadd.s32 @!p2 $0x380, s2;
	s3 =	sadd.s32 @!p2 $0x1C0000, s14;
	_ =	swait.ge [sflag:s12], $0x4000  }
0xcb: {  	s14 =	sadd.s32 $0x180000, s14;
	s24 =	simm.s32 $0x8000;
	[sflag:s12] =	ssyncset.done $0x0  }
0xcc: {  	s0 =	sor.u32 @!p1 s9, s0;
	s5 =	sand.u32 @!p2 $0x380, s2;
	[sflag:s12] =	ssyncadd.s32 $0xFFFFC000  }
0xcd: {  	s11 =	sand.u32 @!p2 $0x7E00000, s3;
	s3 =	simm.s32 @!p1 $0x3;
	[bflag:$0x0] =	sbarrier.arrive $0xFFFF  }
0xce: {  	[tilespmem:s28], [sflag:$0x2] =	stream.indirect.gather [spmem:s6], $0x1, s25, s1, $0xb8;
	[tilespmem:$0x18000] =	vst v63  }
.Ltmp0:
0xcf: {  	s2 =	simm.s32 @!p1 $0x0;
	_ =	swait.ge @p1 [sflag:s4], $0x4000;
	(pc) =	sbr.rel @p0 .LBB2_2-.Ltmp0, $4  }
0xd0: {  	s0 =	sshrl.u32 @!p1 s0, $0x3;
	s12 =	simm.s32 @p1 $0x80;
	[sflag:s4] =	ssyncset.done @p1 $0x0  }
0xd1: {  	s1 =	rddreg [dreg:$0x11];
	[sflag:s4] =	ssyncadd.s32 @p1 $0xFFFFC000;
	s4 =	sadd.s32 @p1 s29, s19  }
0xd2: {  	[hbm4b:s4+s12] =	stream.strided.scatter @p1 [tilespmem:s13], [sflag:$0x3], $0x4000, s15, s12, $0x38;
	[tilespmem:$0x18000] =	vst v63  }
0xd3: {  	s12 =	simm.s32 @!p1 $0x2;
	s4 =	sor.u32 @!p2 s11, s5;
	_ =	swait.ge @p1 [sflag:s7], $0x4000  }
0xd4: {  	[sflag:s7] =	ssyncset.done @p1 $0x0  }
0xd5: {  	s5 =	simm.s32 @!p1 $0x10;
	s10 =	simm.s32 @!p1 $0x80;
	[sflag:s7] =	ssyncadd.s32 @p1 $0xFFFFC000  }
0xd6: {  	s11 =	simm.s32 @!p1 $0x1;
	s13 =	rddreg [dreg:$0x0];
	[bflag:$0x0] =	sbarrier.arrive @p1 $0xFFFF  }
0xd7: {  	s7 =	sshrl.u32 @!p1 s1, $0x3;
	s0 =	sadd.s32 @!p1 s13, s0;
	s14 =	rddreg [dreg:$0xb]  }
0xd8: {  	[spmem:s7@s5], [sflag:s14] =	dma.strided @!p1 [hbm:s0@s10], $0x800, s11, $0x10   }
0xd9: {  	_ =	swait.ge @!p1 [sflag:s12], $0x4000  }
0xda: {  	s0 =	simm.s32 @!p1 $0x4000;
	[sflag:s12] =	ssyncset.done @!p1 $0x0;
	s8 =	rddreg [dreg:$0x10]  }
0xdb: {  	s7 =	simm.s32 @!p1 $0x400;
	s5 =	sadd.s32 @!p1 s8, s19;
	[sflag:s12] =	ssyncadd.s32 @!p1 $0xFFFFC000  }
0xdc: {  	[hbm4b:s5+s10] =	stream.strided.scatter @!p1 [tilespmem:s0], [sflag:$0x3], $0x4000, s7, s10, $0x38;
	[tilespmem:$0x18000] =	vst v63  }
0xdd: {  	_ =	swait.ge @!p1 [sflag:s11], $0x800  }
0xde: {  	[sflag:s11] =	ssyncset.done @!p1 $0x0  }
0xdf: {  	[sflag:s11] =	ssyncadd.s32 @!p1 $0xFFFFF800  }
0xe0: {  	s5 =	rddreg [dreg:$0xf];
	_ =	swait.ge @!p1 [sflag:s3], $0x4000  }
0xe1: {  	[sflag:s3] =	ssyncset.done @!p1 $0x0  }
0xe2: {  	s20 =	simm.s32 $0x2;
	s4 =	sor.u32 @!p2 s5, s4;
	[sflag:s3] =	ssyncadd.s32 @!p1 $0xFFFFC000  }
0xe3: {  	s10 =	simm.s32 @!p2 $0x1;
	s4 =	sshrl.u32 @!p2 s4, $0x3;
	[bflag:$0x0] =	sbarrier.arrive @!p1 $0xFFFF  }
0xe4: {  	s5 =	simm.s32 @!p2 $0x80;
	s4 =	sadd.s32 @!p2 s13, s4;
	s7 =	rddreg [dreg:$0x8]  }
0xe5: {  	s3 =	simm.s32 @!p2 $0x10;
	s11 =	rddreg [dreg:$0x3];
	s7 =	sshrl.u32 @!p2 s7, $0x3  }
0xe6: {  	[tilespmem:s0], [sflag:$0x2] =	stream.indirect.gather @!p1 [spmem:s11], $0x1, s2, s0, $0xb8;
	[tilespmem:$0x18000] =	vst v63  }
0xe7: {  	[spmem:s7@s3], [sflag:s14] =	dma.strided @!p2 [hbm:s4@s5], $0x800, s10, $0x10   }
0xe8: {  	_ =	swait.ge [sflag:s20], $0x4000  }
0xe9: {  	[sflag:s20] =	ssyncset.done $0x0  }
0xea: {  	s29 =	simm.s32 $0x3;
	s28 =	sadd.s32 s8, s16;
	[sflag:s20] =	ssyncadd.s32 $0xFFFFC000  }
0xeb: {  	[hbm4b:s28+s23] =	stream.strided.scatter [tilespmem:s24], [sflag:$0x3], $0x4000, s31, s23, $0x38;
	[tilespmem:$0x18000] =	vst v63  }
0xec: {  	_ =	swait.ge [sflag:s29], $0x4000  }
0xed: {  	s30 =	rddreg [dreg:$0x18]  }
0xee: {  	s31 =	rddreg [dreg:$0x16];
	s3 =	sadd.s32 $0x1, s30  }
0xef: {  	p0 =	sne.s32 s3, s31  }
.Ltmp1:
0xf0: {  	_ = 	snop;
	(pc) =	sbr.rel @p0 .LBB2_1-.Ltmp1, $3  }
0xf1: {  	_ =	sdelay $0x1  }
0xf2: {  	[sflag:s29] =	ssyncset.done $0x0;
	s13 =	rddreg [dreg:$0xe]  }
0xf3: {  	s15 =	simm.s32 $0x4000;
	s14 =	rddreg [dreg:$0xd];
	[sflag:s29] =	ssyncadd.s32 $0xFFFFC000  }
0xf4: {  	_ =	sfence.sel $0x180000  }
0xf5: {  	[bflag:$0x0] =	sbarrier.arrive $0xFFFF  }
0xf6: {  	_ =	strace $0x9000004A  }
0xf7: {  	s0 =	stileid.u32;
	[bflag:$0x2] =	sbarrier.arrive $0xFFFF  }
0xf8: {  	p0 =	sne.s32 s0, $0x0;
	s0 =	rddreg [dreg:$0x6]  }
0xf9: {  	s0 =	sadd.s32 @!p0 $0x100000, s0  }
0xfa: {  	[sflag:s0] =	ssyncadd.tile.s32 @!p0 $0x1;
	_ =	shalt  }
.Lfunc_end2:
_tile_overlayer_lowered:
.L_overlay_start_2:
0xfb: {  	(tag) =	ssettag $0x2  }
0xfc: {  	s0 =	rddreg [dreg:$0x0];
	s2 =	stileid.u32  }
0xfd: {  	s1 =	rddreg [dreg:$0x1];
	p0 =	sne.s32 s2, $0x0  }
0xfe: {  	s3 =	rddreg [dreg:$0x2];
	[bflag:$0x3] =	sbarrier.arrive $0xFFFF;
	s2 =	simm.s32 @!p0 $0x1C04  }
0xff: {  	[timem:s3], [sflag:s2] =	dma.local @!p0 [hbm:s0], s1  }
0x100: {  	s0 =	simm.s32 @!p0 $0x4  }
0x101: {  	_ =	swait.ge @!p0 [sflag:s0], s1  }
0x102: {  	s1 =	ssub.s32 @!p0 $0x0, s1;
	[sflag:s0] =	ssyncset.done @!p0 $0x0  }
0x103: {  	[sflag:s0] =	ssyncadd.s32 @!p0 s1  }
0x104: {  	[bflag:$0x3] =	sbarrier.arrive $0xFFFF  }
0x105: {  	_ =	shalt  }

// kernel: sparse-core-data-format-call.cloned.1.call-start
scs
called_computation_lowered:
.L_overlay_start_0:
0x0: {  	s2 =	sld [smem:$0x3FD9]  }
0x1: {  	s3 =	sld [smem:$0x3FFE];
	_ =	sdelay $0x1  }
0x2: {  	s1 =	srdreg.scid  }
0x3: {  	s0 =	sand.u32 $0x1, s1  }
0x4: {  	s19 =	sshll.u32 s0, $0xA;
	s2 =	sadd.s32 s3, s2  }
0x5: {  	s2 =	sadd.s32 s2, s19  }
0x6: {  	[smem:$0x3FC6] =	sst s2  }
0x7: {  	_ = 	snop  }
0x8: {  	s2 =	sld [smem:$0x3FC9]  }
0x9: {  	s20 =	sld [smem:$0x3FD0];
	(tm) =	ssettm $0x1  }
0xa: {  	s4 =	sld [smem:$0x3FFB];
	_ =	sdelay $0x3  }
0xb: {  	_ =	strace s4  }
0xc: {  	s4 =	sld [smem:$0x3FFC];
	_ =	sdelay $0x3  }
0xd: {  	_ =	strace s4  }
0xe: {  	s4 =	sld [smem:$0x3FFD];
	_ =	sdelay $0x3  }
0xf: {  	_ =	strace s4  }
0x10: {  	_ =	strace $0x8FFFFFFF  }
0x11: {  	s21 =	sld [smem:$0x3FDB];
	_ =	sdelay $0x1  }
0x12: {  	s5 =	simm.s32 $_scs_section_size  }
0x13: {  	s6 =	simm.s32 $_size__tile_overlayer_lowered;
	s7 =	simm.s32 $_tile_overlayer_lowered  }
0x14: {  	s24 =	simm.s32 $0x1BFF;
	s23 =	sshll.u32 s7, $0x1;
	s4 =	sadd.s32 s5, s21  }
0x15: {  	s8 =	simm.s32 $0x0;
	s22 =	sshll.u32 s6, $0x1;
	s6 =	sadd.s32 s23, s4  }
0x16: {  	[timem:s8], [sflag:s24] =	dma.local [hbm:s6], s22  }
0x17: {  	_ =	swait.ge [sflag:s24], s22  }
0x18: {  	s5 =	ssub.s32 $0x0, s22;
	[sflag:s24] =	ssyncset.done $0x0  }
0x19: {  	[sflag:s24] =	ssyncadd.s32 s5;
	_ =	sdelay $0x1  }
0x1a: {  	s25 =	simm.s32 $0x1B8B  }
0x1b: {  	_ =	swait.ge [sflag:s25], $0x1  }
0x1c: {  	[sflag:s25] =	ssyncset.done $0x0  }
0x1d: {  	s26 =	simm.s32 $0x1B8E;
	[sflag:s25] =	ssyncadd.s32 $0xFFFFFFFF  }
0x1e: {  	s27 =	simm.s32 $execute0_lowered;
	[smem:$0x3FD2] =	sst s26  }
0x1f: {  	s5 =	sshll.u32 s27, $0x1;
	_ =	strace $0x80000046;
	[dreg:$0x1] =	wrdreg $0xFFFFFFFF  }
0x20: {  	s28 =	simm.s32 $_size_execute0_lowered;
	s4 =	sadd.s32 s4, s5;
	[dreg:$0x0] =	wrdreg $0x0  }
0x21: {  	s5 =	sshll.u32 s28, $0x1;
	[dreg:$0x2] =	wrdreg s4  }
0x22: {  	[dreg:$0x3] =	wrdreg s5  }
0x23: {  	[dreg:$0x4] =	wrdreg $0xC0  }
0x24: {  	_ =	task [dreg:s8], $0x5FFFF  }
0x25: {  	[dreg:$0x1] =	wrdreg $0xFFFFFFFF  }
0x26: {  	[dreg:$0x0] =	wrdreg $0x60  }
0x27: {  	[dreg:$0x2] =	wrdreg s2  }
0x28: {  	[dreg:$0x3] =	wrdreg s20  }
0x29: {  	[dreg:$0x4] =	wrdreg $0x9  }
0x2a: {  	_ =	task.clear_ibuf [dreg:s8], $0x5FFFF;
	_ =	strace $0x90000046  }
0x2b: {  	s29 =	simm.s32 $0x9;
	_ =	strace $0x80000048  }
0x2c: {  	_ =	swait.ge [sflag:s29], $0x1  }
0x2d: {  	[sflag:s29] =	ssyncadd.s32 $0xFFFFFFFF  }
0x2e: {  	_ =	strace $0x90000048  }
0x2f: {  	_ =	sfence  }
0x30: {  	s30 =	sld [smem:$0x0];
	_ =	sdelay $0x2  }
0x31: {  	s31 =	sshll.u32 s1, $0xD;
	s1 =	sshrl.u32 s1, $0x2  }
0x32: {  	s3 =	sand.u32 $0x4000, s31;
	s1 =	sadd.s32 s1, s30  }
0x33: {  	s0 =	sor.u32 s3, s0;
	s1 =	sshll.u32 s1, $0x11  }
0x34: {  	s0 =	sor.u32 s1, s0  }
0x35: {  	s0 =	sadd.s32 $0x8F2B, s0  }
0x36: {  	[sflag:s0] =	ssyncadd.remote.s32 $0x1  }
0x37: {  	_ =	sfence.sel $0xFFFF  }
0x38: {  	[dreg:$0x0] =	wrdreg $0xFFFFFFFF;
	(pc) =	sbr.abs _section_cstart, $3  }
0x39: {  	[dreg:$0x1] =	wrdreg $0xFFFFFFFF  }
0x3a: {  	_ =	task.clear_ibuf [dreg:s8], $0x2FFFF;
	_ =	strace $0x9FFFFFFF  }
0x3b: {  	(tm) =	ssettm $0x7FFFFFFF  }
tec
execute0_lowered:
.L_overlay_start_1:
0x0: {  	(tag) =	ssettag $0x1  }
0x1: {  	s0 =	stileid.u32  }
0x2: {  	s1 =	srdreg.scid;
	s3 =	rddreg [dreg:$0x0]  }
0x3: {  	s5 =	simm.s32 $0x1;
	s2 =	sshll.u32 s0, $0x4;
	s1 =	sshll.u32 s1, $0x8  }
0x4: {  	s8 =	simm.s32 $0x2;
	s16 =	simm.s32 $0x0;
	s1 =	sor.u32 s2, s1  }
0x5: {  	s9 =	simm.s32 $0x1000;
	s10 =	simm.s32 $0x0;
	s2 =	sand.u32 $0x180, s1  }
0x6: {  	s17 =	simm.s32 $0x0;
	s19 =	simm.s32 $0x0;
	s1 =	ssub.s32 $0x200, s2  }
0x7: {  	s18 =	simm.s32 $0x0;
	s11 =	simm.s32 $0x0;
	s4 =	sand.u32 $0x180, s1  }
0x8: {  	s14 =	simm.s32 $0x0;
	s6 =	sshrl.u32 s1, $0x9;
	p0 =	sne.s32 s4, $0x0  }
.Ltmp0:
0x9: {  	s1 =	rddreg [dreg:$0x2];
	s5 =	simm.s32 @!p0 $0x0;
	(pc) =	sbr.rel .LBB1_1-.Ltmp0, $4  }
0xa: {  	s7 =	sand.u32 $0x7, s0;
	s4 =	rddreg [dreg:$0x1];
	s6 =	sadd.s32 s5, s6  }
0xb: {  	_ =	strace $0x80000047;
	s5 =	simm.s32 $0x1;
	s6 =	smul.u32 $0x60, s6  }
0xc: {  	s15 =	simm.s32 $0x0;
	s13 =	smov.u32 s7;
	[sflag:s5] =	ssyncpa.u1 $0x0  }
0xd: {  	s12 =	smov.u32 s2;
	[sflag:s8] =	ssyncpa.u1 $0x0;
	s8 =	sor.u32 $0x1, s6  }
.LBB1_4:
0xe: {  	_ =	sdelay $0x3  }
0xf: {  	[tilespmem:v0+s22+$0xFFFFFFA0 ss:$0x1] =	vst.idx.msk $0xffff, v6  }
0x10: {  	v56 =	vld.idx.msk [tilespmem:v1+s21+$0x30 ss:$0x1], $0xffff;
	[tilespmem:v0+s22+$0xFFFFFFB0 ss:$0x1] =	vst.idx.msk $0xffff, v4  }
0x11: {  	v57 =	vld.idx.msk [tilespmem:v1+s21+$0xFFFFFFC0 ss:$0x1], $0xffff;
	[tilespmem:v0+s22+$0xFFFFFFC0 ss:$0x1] =	vst.idx.msk $0xffff, v2  }
0x12: {  	v58 =	vld.idx.msk [tilespmem:v1+s21+$0xFFFFFFD0 ss:$0x1], $0xffff;
	[tilespmem:v0+s22+$0xFFFFFFD0 ss:$0x1] =	vst.idx.msk $0xffff, v3  }
0x13: {  	v59 =	vld.idx.msk [tilespmem:v1+s21+$0xFFFFFFE0 ss:$0x1], $0xffff;
	[tilespmem:v0+s22+$0xFFFFFFE0 ss:$0x1] =	vst.idx.msk $0xffff, v5  }
0x14: {  	v60 =	vld.idx.msk [tilespmem:v1+s21+$0xFFFFFFF0 ss:$0x1], $0xffff;
	[tilespmem:v0+s22+$0xFFFFFFF0 ss:$0x1] =	vst.idx.msk $0xffff, v7  }
0x15: {  	v61 =	vld.idx.msk [tilespmem:v1+s21+$0x0 ss:$0x1], $0xffff;
	[tilespmem:v0+s21+$0x0 ss:$0x1] =	vst.idx.msk $0xffff, v56  }
0x16: {  	v62 =	vld.idx.msk [tilespmem:v1+s21+$0x10 ss:$0x1], $0xffff;
	[tilespmem:v0+s21+$0xFFFFFF90 ss:$0x1] =	vst.idx.msk $0xffff, v57  }
0x17: {  	s19 =	sshll.u32 s19, $0x7;
	v63 =	vld.idx.msk [tilespmem:v1+s21+$0x20 ss:$0x1], $0xffff;
	s29 =	sand.u32 $0x78, s16;
	[tilespmem:v0+s21+$0xFFFFFFA0 ss:$0x1] =	vst.idx.msk $0xffff, v58  }
0x18: {  	s30 =	sshll.u32 s16, $0x3;
	s18 =	sshll.u32 s18, $0x12;
	s19 =	sand.u32 $0x380, s19;
	[tilespmem:v0+s21+$0xFFFFFFB0 ss:$0x1] =	vst.idx.msk $0xffff, v59  }
0x19: {  	s17 =	sshll.u32 s17, $0x9;
	s22 =	sand.u32 $0xC00, s30;
	s19 =	sor.u32 s29, s19;
	[tilespmem:v0+s21+$0xFFFFFFC0 ss:$0x1] =	vst.idx.msk $0xffff, v60  }
0x1a: {  	s31 =	sand.u32 $0x7, s16;
	s18 =	sadd.s32 s4, s18;
	s19 =	sor.u32 s22, s19;
	[tilespmem:v0+s21+$0xFFFFFFD0 ss:$0x1] =	vst.idx.msk $0xffff, v61  }
0x1b: {  	s16 =	sshll.u32 s31, $0x12;
	s17 =	sadd.s32 s17, s18;
	s19 =	sshrl.u32 s19, $0x3;
	[tilespmem:v0+s21+$0xFFFFFFE0 ss:$0x1] =	vst.idx.msk $0xffff, v62  }
0x1c: {  	s16 =	sor.u32 $0x80, s16;
	[tilespmem:v0+s21+$0xFFFFFFF0 ss:$0x1] =	vst.idx.msk $0xffff, v63;
	s17 =	sadd.s32 s19, s17  }
0x1d: {  	[hbm4b:s17+s16] =	stream.strided.scatter [tilespmem:s20], [sflag:$0x2], $0x4000, s9, s16, $0x38;
	[tilespmem:$0x10000] =	vst v63  }
.LBB1_5:
0x1e: {  	s20 =	sadd.s32 $0x80, s11  }
0x1f: {  	s16 =	sadd.s32 $0x200, s12;
	s21 =	smov.u32 s12;
	p1 =	sgt.s32 s20, $0x1FF  }
0x20: {  	s21 =	smov.u32 @p1 s16  }
0x21: {  	s22 =	smov.u32 s13;
	s16 =	sadd.s32 $0x8, s13;
	p2 =	sgt.s32 s21, $0x1FF  }
0x22: {  	s22 =	smov.u32 @p2 s16  }
0x23: {  	s16 =	simm.s32 $0x1;
	p3 =	sgt.s32 s22, $0x7  }
0x24: {  	s16 =	simm.s32 @!p3 $0x0  }
0x25: {  	p0 =	slt.u32 s15, $0x2;
	s24 =	sadd.s32 s16, s14  }
0x26: {  	s17 =	smov.u32 s12;
	s20 =	simm.s32 @p1 $0x0;
	p1 =	sgt.s32 s24, $0x17  }
0x27: {  	s23 =	simm.s32 @!p0 $0x2;
	s24 =	simm.s32 @p1 $0x0;
	p1 =	sne.s32 s15, s8  }
.Ltmp1:
0x28: {  	s19 =	smov.u32 s13;
	_ =	swait.ge @!p0 [sflag:s23], $0x4000;
	(pc) =	sbr.rel @!p1 .LBB1_6-.Ltmp1, $4  }
0x29: {  	s18 =	smov.u32 s14;
	[sflag:s23] =	ssyncset.done @!p0 $0x0;
	s21 =	smov.u32 @p2 s2  }
0x2a: {  	s10 =	sadd.s32 $0x4000, s10;
	[sflag:s23] =	ssyncadd.s32 @!p0 $0xFFFFC000;
	s12 =	smov.u32 s21  }
0x2b: {  	s22 =	smov.u32 @p3 s7;
	s16 =	smov.u32 s11;
	s11 =	smov.u32 s20  }
0x2c: {  	s13 =	smov.u32 s22;
	s15 =	sadd.s32 $0x1, s15;
	s14 =	smov.u32 s24  }
.LBB1_1:
0x2d: {  	p0 =	sge.u32 s15, s6;
	s31 =	sadd.s32 $0xFFFFFFFF, s15  }
0x2e: {  	s20 =	sxor.u32 @!p0 $0xFFFFFFFF, s15;
	s21 =	sand.u32 @!p0 $0x78, s11;
	s22 =	sshll.u32 @!p0 s12, $0x9  }
0x2f: {  	s23 =	sshll.u32 @!p0 s11, $0x3;
	s24 =	sshll.u32 @!p0 s12, $0x7;
	s20 =	sshll.u32 @!p0 s20, $0xE  }
0x30: {  	s22 =	sand.u32 @!p0 $0x3F000, s22;
	s23 =	sand.u32 @!p0 $0x3FC00, s23;
	s20 =	sand.u32 @!p0 $0x4000, s20  }
0x31: {  	s22 =	sadd.s32 @!p0 s22, s23;
	s23 =	sand.u32 @!p0 $0x200, s24;
	s24 =	sand.u32 @!p0 $0x180, s24  }
0x32: {  	s22 =	sor.u32 @!p0 s23, s22;
	s21 =	sor.u32 @!p0 s21, s24;
	s23 =	sshll.u32 @!p0 s14, $0x12  }
0x33: {  	s24 =	sshll.u32 @!p0 s13, $0xF;
	s22 =	sshrl.u32 @!p0 s22, $0x3;
	s23 =	sadd.s32 @!p0 s3, s23  }
0x34: {  	s21 =	sshrl.u32 @!p0 s21, $0x3;
	s23 =	sadd.s32 @!p0 s24, s23;
	s24 =	sand.u32 @!p0 $0x7, s11  }
0x35: {  	s22 =	sand.u32 @!p0 $0x7FC0, s22;
	s21 =	sadd.s32 @!p0 s21, s23;
	s23 =	sshll.u32 @!p0 s24, $0x12  }
0x36: {  	s21 =	sadd.s32 @!p0 s22, s21;
	s22 =	sor.u32 @!p0 $0x400, s23;
	s23 =	simm.s32 @!p0 $0x1000  }
0x37: {  	[tilespmem:s20], [sflag:$0x1] =	stream.strided.gather @!p0 [hbm4b:s21+s22], $0x4000, s23, s22, $0x38;
	[tilespmem:$0x10000] =	vst v63  }
0x38: {  	p0 =	sge.u32 s31, s6  }
.Ltmp2:
0x39: {  	_ = 	snop;
	(pc) =	sbr.rel @p0 .LBB1_5-.Ltmp2, $1  }
0x3a: {  	_ =	sdelay $0x3  }
0x3b: {  	s20 =	sand.u32 $0x4000, s10  }
0x3c: {  	s21 =	sor.u32 $0x40, s20  }
0x3d: {  	v1 =	vmov s21;
	_ =	sdelay $0x1  }
0x3e: {  	_ =	swait.ge [sflag:s5], $0x4000  }
0x3f: {  	[sflag:s5] =	ssyncset.done $0x0  }
0x40: {  	s22 =	simm.s32 $0x0;
	[sflag:s5] =	ssyncadd.s32 $0xFFFFC000  }
0x41: {  	s20 =	sor.u32 $0x8070, s20;
	v7 =	vld.idx.msk [tilespmem:v1+s22+$0x30 ss:$0x1], $0xffff  }
0x42: {  	v0 =	vmov s20;
	v8 =	vld.idx.msk [tilespmem:v1+s22+$0xFFFFFFC0 ss:$0x1], $0xffff  }
0x43: {  	v6 =	vld.idx.msk [tilespmem:v1+s22+$0xFFFFFFD0 ss:$0x1], $0xffff  }
0x44: {  	v4 =	vld.idx.msk [tilespmem:v1+s22+$0xFFFFFFE0 ss:$0x1], $0xffff  }
0x45: {  	v2 =	vld.idx.msk [tilespmem:v1+s22+$0xFFFFFFF0 ss:$0x1], $0xffff  }
0x46: {  	s31 =	sshll.u32 s15, $0xE;
	v3 =	vld.idx.msk [tilespmem:v1+s22+$0x0 ss:$0x1], $0xffff  }
0x47: {  	s20 =	sand.u32 $0x4000, s31;
	v5 =	vld.idx.msk [tilespmem:v1+s22+$0x10 ss:$0x1], $0xffff;
	[tilespmem:v0+s22+$0x0 ss:$0x1] =	vst.idx.msk $0xffff, v7  }
0x48: {  	s23 =	simm.s32 $0x400;
	s21 =	simm.s32 $0x80;
	s20 =	sor.u32 $0x8000, s20;
	[tilespmem:v0+s22+$0xFFFFFF90 ss:$0x1] =	vst.idx.msk $0xffff, v8;
	v7 =	vld.idx.msk [tilespmem:v1+s22+$0x20 ss:$0x1], $0xffff  }
.LBB1_3:
0x49: {  	p0 =	sne.s32 s23, $0xFE00;
	v8 =	vld.idx.msk [tilespmem:v1+s21+$0x30 ss:$0x1], $0xffff;
	[tilespmem:v0+s22+$0xFFFFFFA0 ss:$0x1] =	vst.idx.msk $0xffff, v6  }
0x4a: {  	v9 =	vld.idx.msk [tilespmem:v1+s21+$0xFFFFFFC0 ss:$0x1], $0xffff;
	[tilespmem:v0+s22+$0xFFFFFFB0 ss:$0x1] =	vst.idx.msk $0xffff, v4  }
0x4b: {  	v6 =	vld.idx.msk [tilespmem:v1+s21+$0xFFFFFFD0 ss:$0x1], $0xffff;
	[tilespmem:v0+s22+$0xFFFFFFC0 ss:$0x1] =	vst.idx.msk $0xffff, v2  }
.Ltmp3:
0x4c: {  	v4 =	vld.idx.msk [tilespmem:v1+s21+$0xFFFFFFE0 ss:$0x1], $0xffff;
	[tilespmem:v0+s22+$0xFFFFFFD0 ss:$0x1] =	vst.idx.msk $0xffff, v3;
	(pc) =	sbr.rel @p0 .LBB1_3-.Ltmp3, $4  }
0x4d: {  	v2 =	vld.idx.msk [tilespmem:v1+s21+$0xFFFFFFF0 ss:$0x1], $0xffff;
	[tilespmem:v0+s22+$0xFFFFFFE0 ss:$0x1] =	vst.idx.msk $0xffff, v5  }
0x4e: {  	v3 =	vld.idx.msk [tilespmem:v1+s21+$0x0 ss:$0x1], $0xffff;
	[tilespmem:v0+s22+$0xFFFFFFF0 ss:$0x1] =	vst.idx.msk $0xffff, v7;
	s22 =	smov.u32 s21  }
0x4f: {  	v5 =	vld.idx.msk [tilespmem:v1+s22+$0x10 ss:$0x1], $0xffff;
	[tilespmem:v0+s22+$0x0 ss:$0x1] =	vst.idx.msk $0xffff, v8  }
0x50: {  	s21 =	sshra.s32 s23, $0x2;
	s23 =	sadd.s32 $0x200, s23;
	[tilespmem:v0+s22+$0xFFFFFF90 ss:$0x1] =	vst.idx.msk $0xffff, v9;
	v7 =	vld.idx.msk [tilespmem:v1+s22+$0x20 ss:$0x1], $0xffff  }
.Ltmp4:
0x51: {  	_ = 	snop;
	(pc) =	sbr.rel .LBB1_4-.Ltmp4, $1  }
0x52: {  	_ =	sdelay $0x3  }
.LBB1_6:
0x53: {  	_ =	sfence.sel $0x180000  }
0x54: {  	s2 =	simm.s32 $0x1;
	[bflag:$0x0] =	sbarrier.arrive $0xFFFF  }
0x55: {  	s31 =	simm.s32 $0x2;
	[sflag:s2] =	ssyncpa.u1 $0x1  }
0x56: {  	[sflag:s31] =	ssyncpa.u1 $0x1  }
0x57: {  	p0 =	sne.s32 s0, $0x0;
	_ =	strace $0x90000047  }
0x58: {  	s0 =	sadd.s32 @!p0 $0x100000, s1;
	[bflag:$0x2] =	sbarrier.arrive $0xFFFF  }
0x59: {  	[sflag:s0] =	ssyncadd.tile.s32 @!p0 $0x1;
	_ =	shalt  }
.Lfunc_end1:
_tile_overlayer_lowered:
.L_overlay_start_2:
0x5a: {  	(tag) =	ssettag $0x2  }
0x5b: {  	s0 =	rddreg [dreg:$0x0];
	s2 =	stileid.u32  }
0x5c: {  	s1 =	rddreg [dreg:$0x1];
	p0 =	sne.s32 s2, $0x0  }
0x5d: {  	s3 =	rddreg [dreg:$0x2];
	[bflag:$0x3] =	sbarrier.arrive $0xFFFF;
	s2 =	simm.s32 @!p0 $0x1C01  }
0x5e: {  	[timem:s3], [sflag:s2] =	dma.local @!p0 [hbm:s0], s1  }
0x5f: {  	s0 =	simm.s32 @!p0 $0x1  }
0x60: {  	_ =	swait.ge @!p0 [sflag:s0], s1  }
0x61: {  	s1 =	ssub.s32 @!p0 $0x0, s1;
	[sflag:s0] =	ssyncset.done @!p0 $0x0  }
0x62: {  	[sflag:s0] =	ssyncadd.s32 @!p0 s1  }
0x63: {  	[bflag:$0x3] =	sbarrier.arrive $0xFFFF  }
0x64: {  	_ =	shalt  }

</sc_bundles>
